<compile_context>
chip_gen: v7x
topology: tpu7x:2x2x1
jax: 0.10.2.dev20260603
libtpu: 0.0.44.dev20260713+nightly
codegen_flags: <defaults>
</compile_context>

<pallas_src>
import functools

import jax
import jax.numpy as jnp
from jax import lax
from jax.experimental import pallas as pl
from jax.experimental.pallas import tpu as pltpu
from jax.experimental.pallas import tpu_sc as plsc

NC = 2
NS = 16
NW = NC * NS
LANES = 16
CH = 128
SLOPE = (1.0 / 8.0 + 1.0 / 3.0) / 2.0
F = 128


def _sc_mesh():
    return plsc.VectorSubcoreMesh(core_axis_name="c", subcore_axis_name="s")



def _make_deg_kernel(npad, k):
    npt = npad // NS

    @functools.partial(
        pl.kernel,
        out_type=jax.ShapeDtypeStruct((NC, npad), jnp.float32),
        mesh=_sc_mesh(),
        scratch_types=[
            pltpu.VMEM((k, CH), jnp.int32),
            pltpu.VMEM((CH,), jnp.float32),
            pltpu.VMEM((npt,), jnp.float32),
            pltpu.VMEM_SHARED((npad,), jnp.float32),
        ],
    )
    def deg_k(dst_hbm, out_hbm, dst_v, ones_v, buf_v, deg_s):
        c = lax.axis_index("c")
        s = lax.axis_index("s")
        w = c * NS + s
        base = s * npt
        one16 = jnp.full((LANES,), 1.0, jnp.float32)
        zero16 = jnp.zeros((LANES,), jnp.float32)

        @pl.loop(0, CH // LANES)
        def _(i):
            ones_v[pl.ds(i * LANES, LANES)] = one16

        @pl.loop(0, npt // LANES)
        def _(i):
            buf_v[pl.ds(i * LANES, LANES)] = zero16

        pltpu.sync_copy(buf_v, deg_s.at[pl.ds(base, npt)])
        pltpu.sync_copy(dst_hbm.at[w], dst_v)
        plsc.subcore_barrier()

        @pl.loop(0, k)
        def _(j):
            pltpu.sync_copy(ones_v, deg_s.at[dst_v.at[j]], add=True)

        plsc.subcore_barrier()
        pltpu.sync_copy(deg_s.at[pl.ds(base, npt)], buf_v)
        pltpu.sync_copy(buf_v, out_hbm.at[c, pl.ds(base, npt)])

    return deg_k


def _make_agg_kernel(npad, k):
    npt = npad // NS
    cpt = npt // CH

    @functools.partial(
        pl.kernel,
        out_type=jax.ShapeDtypeStruct((NC, npad, F), jnp.float32),
        mesh=_sc_mesh(),
        scratch_types=[
            pltpu.VMEM((k, CH), jnp.int32),
            pltpu.VMEM((k, CH), jnp.int32),
            pltpu.VMEM((CH, F), jnp.float32),
            pltpu.VMEM_SHARED((npad, F), jnp.float32),
        ],
    )
    def agg_k(src_hbm, dst_hbm, hs_hbm, out_hbm,
              src_v, dst_v, rows_v, acc_s):
        c = lax.axis_index("c")
        s = lax.axis_index("s")
        w = c * NS + s
        base = s * npt
        zero16 = jnp.zeros((LANES,), jnp.float32)

        @pl.loop(0, CH)
        def _(r):
            @pl.loop(0, F // LANES)
            def _(l2):
                rows_v[r, pl.ds(l2 * LANES, LANES)] = zero16

        @pl.loop(0, cpt)
        def _(i):
            pltpu.sync_copy(rows_v, acc_s.at[pl.ds(base + i * CH, CH)])

        pltpu.sync_copy(src_hbm.at[w], src_v)
        pltpu.sync_copy(dst_hbm.at[w], dst_v)
        plsc.subcore_barrier()

        @pl.loop(0, k)
        def _(j):
            pltpu.sync_copy(hs_hbm.at[src_v.at[j]], rows_v)
            pltpu.sync_copy(rows_v, acc_s.at[dst_v.at[j]], add=True)

        plsc.subcore_barrier()

        pltpu.sync_copy(acc_s.at[pl.ds(base, npt)],
                        out_hbm.at[c, pl.ds(base, npt)])

    return agg_k



def _scale_fn(degT_ref, x_ref, w_ref, hs_ref, dinv_ref):
    dg = degT_ref[...]
    d = dg[:, 0:1] + dg[:, 1:2] + 1.0
    dinv = lax.rsqrt(d)
    h = jnp.dot(x_ref[...], w_ref[...], preferred_element_type=jnp.float32)
    hs_ref[...] = h * dinv
    dinv_ref[...] = dinv


def _layer_fn(p_ref, hs_ref, dinv_ref, b_ref, w_ref, out_ref):
    dinv = dinv_ref[...]
    v = (p_ref[0] + p_ref[1] + hs_ref[...]) * dinv + b_ref[...]
    g = jnp.where(v >= 0, v, v * SLOPE)
    out_ref[...] = jnp.dot(g, w_ref[...], preferred_element_type=jnp.float32) * dinv


def _final_fn(q_ref, hs_ref, dinv_ref, b_ref, w_ref, bl_ref, out_ref):
    v = (q_ref[0] + q_ref[1] + hs_ref[...]) * dinv_ref[...] + b_ref[...]
    g = jnp.where(v >= 0, v, v * SLOPE)
    out_ref[...] = jnp.dot(g, w_ref[...], preferred_element_type=jnp.float32) + bl_ref[...]



def kernel(x, edge_index, W1, b1, W2, b2, Wl, bl):
    n, d_in = x.shape
    e = edge_index.shape[1]
    npad = ((n + 1 + 1023) // 1024) * 1024
    bm = 1024
    grid = (npad // bm,)

    k = -(-e // (NW * CH))
    epad = NW * k * CH

    src = edge_index[0]
    dst = edge_index[1]

    def _shard(a, fill):
        ap = jnp.concatenate([a, jnp.full((epad - e,), fill, a.dtype)])
        return ap.reshape(NW, k, CH)

    srcp = _shard(src, 0)
    dstp = _shard(dst, n)
    xp = jnp.pad(x, ((0, npad - n), (0, 0)))

    degp = _make_deg_kernel(npad, k)(dstp)
    degT = jnp.stack([degp[0], degp[1]], axis=1)

    h1s, dinv = pl.pallas_call(
        _scale_fn,
        grid=grid,
        in_specs=[
            pl.BlockSpec((bm, 2), lambda i: (i, 0)),
            pl.BlockSpec((bm, d_in), lambda i: (i, 0)),
            pl.BlockSpec((d_in, F), lambda i: (0, 0)),
        ],
        out_specs=[
            pl.BlockSpec((bm, F), lambda i: (i, 0)),
            pl.BlockSpec((bm, 1), lambda i: (i, 0)),
        ],
        out_shape=[
            jax.ShapeDtypeStruct((npad, F), jnp.float32),
            jax.ShapeDtypeStruct((npad, 1), jnp.float32),
        ],
    )(degT, xp, W1)

    agg = _make_agg_kernel(npad, k)

    p = agg(srcp, dstp, h1s)
    h2s = pl.pallas_call(
        _layer_fn,
        grid=grid,
        in_specs=[
            pl.BlockSpec((NC, bm, F), lambda i: (0, i, 0)),
            pl.BlockSpec((bm, F), lambda i: (i, 0)),
            pl.BlockSpec((bm, 1), lambda i: (i, 0)),
            pl.BlockSpec((1, F), lambda i: (0, 0)),
            pl.BlockSpec((F, F), lambda i: (0, 0)),
        ],
        out_specs=pl.BlockSpec((bm, F), lambda i: (i, 0)),
        out_shape=jax.ShapeDtypeStruct((npad, F), jnp.float32),
    )(p, h1s, dinv, b1.reshape(1, F), W2)

    q = agg(srcp, dstp, h2s)
    outp = pl.pallas_call(
        _final_fn,
        grid=grid,
        in_specs=[
            pl.BlockSpec((NC, bm, F), lambda i: (0, i, 0)),
            pl.BlockSpec((bm, F), lambda i: (i, 0)),
            pl.BlockSpec((bm, 1), lambda i: (i, 0)),
            pl.BlockSpec((1, F), lambda i: (0, 0)),
            pl.BlockSpec((F, F), lambda i: (0, 0)),
            pl.BlockSpec((1, F), lambda i: (0, 0)),
        ],
        out_specs=pl.BlockSpec((bm, F), lambda i: (i, 0)),
        out_shape=jax.ShapeDtypeStruct((npad, F), jnp.float32),
    )(q, h2s, dinv, b2.reshape(1, F), Wl, bl.reshape(1, F))

    return outp[:n]

# --- scband reference (transcript-rebuilt; emitter-appended) ---
"""Pipeline reference for scband-node-generator-topology-89550068122211 (READ-ONLY COPY).

The authoritative reference and input builder live on the scoring server;
editing this copy changes nothing except your own understanding.
"""

import jax, jax.numpy as jnp
import numpy as np

N = 10000
E = 320000
D = 128
H = 128
O = 128
RRELU_SLOPE = (1.0 / 8.0 + 1.0 / 3.0) / 2.0  # RReLU eval-mode negative slope = 11/48


def setup_inputs(seed: int = 0) -> dict:
    key = jax.random.key(seed)
    ks = jax.random.split(key, 9)
    x = jax.random.normal(ks[0], (N, D), dtype=jnp.float32)
    edge_index = jax.random.randint(ks[1], (2, E), 0, N, dtype=jnp.int32)
    # GCNConv weights (in x out layout) and biases
    W1 = jax.random.normal(ks[2], (D, H), dtype=jnp.float32) * (1.0 / np.sqrt(D))
    b1 = jnp.zeros((H,), dtype=jnp.float32)
    W2 = jax.random.normal(ks[3], (H, H), dtype=jnp.float32) * (1.0 / np.sqrt(H))
    b2 = jnp.zeros((H,), dtype=jnp.float32)
    Wl = jax.random.normal(ks[4], (H, O), dtype=jnp.float32) * (1.0 / np.sqrt(H))
    bl = jax.random.normal(ks[5], (O,), dtype=jnp.float32) * 0.01
    return {"x": x, "edge_index": edge_index, "W1": W1, "b1": b1, "W2": W2, "b2": b2, "Wl": Wl, "bl": bl}


def _gcn_conv(x, edge_index, W, b):
    num_nodes = x.shape[0]
    src = edge_index[0]
    dst = edge_index[1]
    # add self-loops (GCNConv default add_self_loops=True)
    loop = jnp.arange(num_nodes, dtype=src.dtype)
    src = jnp.concatenate([src, loop], axis=0)
    dst = jnp.concatenate([dst, loop], axis=0)
    ew = jnp.ones((src.shape[0],), dtype=x.dtype)
    # symmetric normalization: deg computed on dst (col)
    deg = jnp.zeros((num_nodes,), dtype=x.dtype).at[dst].add(ew)
    dinv = jnp.where(deg > 0, jax.lax.rsqrt(deg), 0.0)
    norm = dinv[src] * ew * dinv[dst]
    h = x @ W
    msg = h[src] * norm[:, None]
    out = jnp.zeros((num_nodes, W.shape[1]), dtype=x.dtype).at[dst].add(msg)
    return out + b


def _rrelu_eval(v):
    return jnp.where(v >= 0, v, v * RRELU_SLOPE)


def reference(x, edge_index, W1, b1, W2, b2, Wl, bl):
    # eval mode: Dropout and DropEdge are identity; static_dim=0 so no rand concat
    h = _rrelu_eval(_gcn_conv(x, edge_index, W1, b1))
    h = _rrelu_eval(_gcn_conv(h, edge_index, W2, b2))
    return h @ Wl + bl

if __name__ == "__main__":
    import jax
    _d = setup_inputs()
    print(jax.jit(kernel)(*tuple(_d.values())))

</pallas_src>

<mosaic_0001>
#map = affine_map<(d0, d1) -> (0, 0, 0)>
#map1 = affine_map<(d0, d1) -> (0, 0)>
module attributes {stable_mosaic.version = 14 : i64} {
  func.func @agg_k(%arg0: i32, %arg1: i32, %arg2: memref<32x79x128xi32, #tpu.memory_space<hbm>>, %arg3: memref<32x79x128xi32, #tpu.memory_space<hbm>>, %arg4: memref<10240x128xf32, #tpu.memory_space<hbm>>, %arg5: memref<2x10240x128xf32, #tpu.memory_space<hbm>>, %arg6: memref<79x128xi32, #tpu.memory_space<vmem>>, %arg7: memref<79x128xi32, #tpu.memory_space<vmem>>, %arg8: memref<128x128xf32, #tpu.memory_space<vmem>>, %arg9: memref<10240x128xf32, #tpu.memory_space<vmem_shared>>) attributes {dimension_semantics = [#tpu.dimension_semantics<core_parallel>, #tpu.dimension_semantics<subcore_parallel>], iteration_bounds = array<i64: 2, 16>, scalar_prefetch = 0 : i64, scratch_operands = 4 : i64, tpu.core_type = #tpu.core_type<sc_vector_subcore>, window_params = [{transform_indices = #map}, {transform_indices = #map}, {transform_indices = #map1}, {transform_indices = #map}]} {
    %mul3A = arith.constant 16 : i32
    %mul3A_0 = arith.muli %arg0, %mul3A : i32
    %add3A = arith.addi %mul3A_0, %arg1 : i32
    %mul3A_1 = arith.constant 640 : i32
    %mul3A_2 = arith.muli %arg1, %mul3A_1 : i32
    %broadcast_in_dim3A = arith.constant 0.000000e+00 : f32
    %broadcast_in_dim3A_3 = vector.broadcast %broadcast_in_dim3A : f32 to vector<16xf32>
    %scan3A = arith.constant 0 : i32
    %scan3A_4 = arith.constant 128 : i32
    %scan3A_5 = arith.addi %scan3A, %scan3A_4 : i32
    %scan3A_6 = arith.constant 1 : i32
    scf.for %scan3A_19 = %scan3A to %scan3A_5 step %scan3A_6  : i32 {
      %mul3A_20 = arith.constant 1 : i32
      %mul3A_21 = arith.muli %scan3A_19, %mul3A_20 : i32
      %add3A_22 = arith.constant 0 : i32
      %add3A_23 = arith.addi %add3A_22, %mul3A_21 : i32
      %scan3A_24 = arith.constant 0 : i32
      %scan3A_25 = arith.constant 8 : i32
      %scan3A_26 = arith.addi %scan3A_24, %scan3A_25 : i32
      %scan3A_27 = arith.constant 1 : i32
      scf.for %scan3A_29 = %scan3A_24 to %scan3A_26 step %scan3A_27  : i32 {
        %mul3A_30 = arith.constant 1 : i32
        %mul3A_31 = arith.muli %scan3A_29, %mul3A_30 : i32
        %add3A_32 = arith.constant 0 : i32
        %add3A_33 = arith.addi %add3A_32, %mul3A_31 : i32
        %mul3A_34 = arith.constant 16 : i32
        %mul3A_35 = arith.muli %add3A_33, %mul3A_34 : i32
        %swap3A = arith.index_cast %add3A_23 : i32 to index
        %swap3A_36 = arith.index_cast %mul3A_35 : i32 to index
        %swap3A_37 = tpu.vector_load %arg8[%swap3A, %swap3A_36] {strides = array<i32>} : memref<128x128xf32, #tpu.memory_space<vmem>>, vector<1x16xf32>,
        %swap3A_38 = vector.shape_cast %swap3A_37 : vector<1x16xf32> to vector<16xf32>
        %swap3A_39 = vector.shape_cast %broadcast_in_dim3A_3 : vector<16xf32> to vector<1x16xf32>
        tpu.vector_store %arg8[%swap3A, %swap3A_36], %swap3A_39 {strides = array<i32>} : memref<128x128xf32, #tpu.memory_space<vmem>>, vector<1x16xf32>,
      }
      %scan3A_28 = arith.constant 8 : i32
    }
    %scan3A_7 = arith.constant 128 : i32
    %scan3A_8 = arith.constant 0 : i32
    %scan3A_9 = arith.constant 5 : i32
    %scan3A_10 = arith.addi %scan3A_8, %scan3A_9 : i32
    %scan3A_11 = arith.constant 1 : i32
    scf.for %scan3A_19 = %scan3A_8 to %scan3A_10 step %scan3A_11  : i32 {
      %mul3A_20 = arith.constant 1 : i32
      %mul3A_21 = arith.muli %scan3A_19, %mul3A_20 : i32
      %add3A_22 = arith.constant 0 : i32
      %add3A_23 = arith.addi %add3A_22, %mul3A_21 : i32
      %mul3A_24 = arith.constant 128 : i32
      %mul3A_25 = arith.muli %add3A_23, %mul3A_24 : i32
      %add3A_26 = arith.addi %mul3A_2, %mul3A_25 : i32
      "tpu.region"() ({
        %run_scoped3A = tpu.sem_alloc : memref<!tpu.dma_semaphore, #tpu.memory_space<semaphore_mem>>
        %dma_start3A = arith.constant 0 : i32
        %dma_start3A_27 = tpu.memref_slice %arg9[%add3A_26, %dma_start3A] : memref<10240x128xf32, #tpu.memory_space<vmem_shared>> -> memref<128x128xf32, #tpu.memory_space<vmem_shared>>
        %dma_start3A_28 = arith.constant 0 : i32
        %dma_start3A_29 = tpu.memref_slice %arg9[%add3A_26, %dma_start3A_28] : memref<10240x128xf32, #tpu.memory_space<vmem_shared>> -> memref<128x128xf32, #tpu.memory_space<vmem_shared>>
        tpu.enqueue_dma source(%arg8 : memref<128x128xf32, #tpu.memory_space<vmem>>) target(%dma_start3A_29 : memref<128x128xf32, #tpu.memory_space<vmem_shared>>) target_semaphore(%run_scoped3A : memref<!tpu.dma_semaphore, #tpu.memory_space<semaphore_mem>>)
        %dma_wait3A = arith.constant 0 : i32
        %dma_wait3A_30 = tpu.memref_slice %arg9[%add3A_26, %dma_wait3A] : memref<10240x128xf32, #tpu.memory_space<vmem_shared>> -> memref<128x128xf32, #tpu.memory_space<vmem_shared>>
        %dma_wait3A_31 = arith.constant 0 : i32
        %dma_wait3A_32 = tpu.memref_slice %arg9[%add3A_26, %dma_wait3A_31] : memref<10240x128xf32, #tpu.memory_space<vmem_shared>> -> memref<128x128xf32, #tpu.memory_space<vmem_shared>>
        tpu.wait_dma2 semaphore(%run_scoped3A : memref<!tpu.dma_semaphore, #tpu.memory_space<semaphore_mem>>) src(%arg8 : memref<128x128xf32, #tpu.memory_space<vmem>>) dst(%dma_wait3A_32 : memref<128x128xf32, #tpu.memory_space<vmem_shared>>)
        tpu.yield
      }) : () -> ()
    }
    %scan3A_12 = arith.constant 5 : i32
    "tpu.region"() ({
      %run_scoped3A = tpu.sem_alloc : memref<!tpu.dma_semaphore, #tpu.memory_space<semaphore_mem>>
      %dma_start3A = arith.constant 0 : i32
      %dma_start3A_19 = arith.constant 0 : i32
      %dma_start3A_20 = tpu.memref_slice %arg2[%add3A, %dma_start3A, %dma_start3A_19] : memref<32x79x128xi32, #tpu.memory_space<hbm>> -> memref<1x79x128xi32, #tpu.memory_space<hbm>>
      %dma_start3A_21 = tpu.memref_squeeze %dma_start3A_20 : memref<1x79x128xi32, #tpu.memory_space<hbm>> -> memref<79x128xi32, #tpu.memory_space<hbm>>
      %dma_start3A_22 = arith.constant 0 : i32
      %dma_start3A_23 = arith.constant 0 : i32
      %dma_start3A_24 = tpu.memref_slice %arg2[%add3A, %dma_start3A_22, %dma_start3A_23] : memref<32x79x128xi32, #tpu.memory_space<hbm>> -> memref<1x79x128xi32, #tpu.memory_space<hbm>>
      %dma_start3A_25 = tpu.memref_squeeze %dma_start3A_24 : memref<1x79x128xi32, #tpu.memory_space<hbm>> -> memref<79x128xi32, #tpu.memory_space<hbm>>
      tpu.enqueue_dma source(%dma_start3A_25 : memref<79x128xi32, #tpu.memory_space<hbm>>) target(%arg6 : memref<79x128xi32, #tpu.memory_space<vmem>>) target_semaphore(%run_scoped3A : memref<!tpu.dma_semaphore, #tpu.memory_space<semaphore_mem>>)
      %dma_wait3A = arith.constant 0 : i32
      %dma_wait3A_26 = arith.constant 0 : i32
      %dma_wait3A_27 = tpu.memref_slice %arg2[%add3A, %dma_wait3A, %dma_wait3A_26] : memref<32x79x128xi32, #tpu.memory_space<hbm>> -> memref<1x79x128xi32, #tpu.memory_space<hbm>>
      %dma_wait3A_28 = tpu.memref_squeeze %dma_wait3A_27 : memref<1x79x128xi32, #tpu.memory_space<hbm>> -> memref<79x128xi32, #tpu.memory_space<hbm>>
      %dma_wait3A_29 = arith.constant 0 : i32
      %dma_wait3A_30 = arith.constant 0 : i32
      %dma_wait3A_31 = tpu.memref_slice %arg2[%add3A, %dma_wait3A_29, %dma_wait3A_30] : memref<32x79x128xi32, #tpu.memory_space<hbm>> -> memref<1x79x128xi32, #tpu.memory_space<hbm>>
      %dma_wait3A_32 = tpu.memref_squeeze %dma_wait3A_31 : memref<1x79x128xi32, #tpu.memory_space<hbm>> -> memref<79x128xi32, #tpu.memory_space<hbm>>
      tpu.wait_dma2 semaphore(%run_scoped3A : memref<!tpu.dma_semaphore, #tpu.memory_space<semaphore_mem>>) src(%dma_wait3A_32 : memref<79x128xi32, #tpu.memory_space<hbm>>) dst(%arg6 : memref<79x128xi32, #tpu.memory_space<vmem>>)
      tpu.yield
    }) : () -> ()
    "tpu.region"() ({
      %run_scoped3A = tpu.sem_alloc : memref<!tpu.dma_semaphore, #tpu.memory_space<semaphore_mem>>
      %dma_start3A = arith.constant 0 : i32
      %dma_start3A_19 = arith.constant 0 : i32
      %dma_start3A_20 = tpu.memref_slice %arg3[%add3A, %dma_start3A, %dma_start3A_19] : memref<32x79x128xi32, #tpu.memory_space<hbm>> -> memref<1x79x128xi32, #tpu.memory_space<hbm>>
      %dma_start3A_21 = tpu.memref_squeeze %dma_start3A_20 : memref<1x79x128xi32, #tpu.memory_space<hbm>> -> memref<79x128xi32, #tpu.memory_space<hbm>>
      %dma_start3A_22 = arith.constant 0 : i32
      %dma_start3A_23 = arith.constant 0 : i32
      %dma_start3A_24 = tpu.memref_slice %arg3[%add3A, %dma_start3A_22, %dma_start3A_23] : memref<32x79x128xi32, #tpu.memory_space<hbm>> -> memref<1x79x128xi32, #tpu.memory_space<hbm>>
      %dma_start3A_25 = tpu.memref_squeeze %dma_start3A_24 : memref<1x79x128xi32, #tpu.memory_space<hbm>> -> memref<79x128xi32, #tpu.memory_space<hbm>>
      tpu.enqueue_dma source(%dma_start3A_25 : memref<79x128xi32, #tpu.memory_space<hbm>>) target(%arg7 : memref<79x128xi32, #tpu.memory_space<vmem>>) target_semaphore(%run_scoped3A : memref<!tpu.dma_semaphore, #tpu.memory_space<semaphore_mem>>)
      %dma_wait3A = arith.constant 0 : i32
      %dma_wait3A_26 = arith.constant 0 : i32
      %dma_wait3A_27 = tpu.memref_slice %arg3[%add3A, %dma_wait3A, %dma_wait3A_26] : memref<32x79x128xi32, #tpu.memory_space<hbm>> -> memref<1x79x128xi32, #tpu.memory_space<hbm>>
      %dma_wait3A_28 = tpu.memref_squeeze %dma_wait3A_27 : memref<1x79x128xi32, #tpu.memory_space<hbm>> -> memref<79x128xi32, #tpu.memory_space<hbm>>
      %dma_wait3A_29 = arith.constant 0 : i32
      %dma_wait3A_30 = arith.constant 0 : i32
      %dma_wait3A_31 = tpu.memref_slice %arg3[%add3A, %dma_wait3A_29, %dma_wait3A_30] : memref<32x79x128xi32, #tpu.memory_space<hbm>> -> memref<1x79x128xi32, #tpu.memory_space<hbm>>
      %dma_wait3A_32 = tpu.memref_squeeze %dma_wait3A_31 : memref<1x79x128xi32, #tpu.memory_space<hbm>> -> memref<79x128xi32, #tpu.memory_space<hbm>>
      tpu.wait_dma2 semaphore(%run_scoped3A : memref<!tpu.dma_semaphore, #tpu.memory_space<semaphore_mem>>) src(%dma_wait3A_32 : memref<79x128xi32, #tpu.memory_space<hbm>>) dst(%arg7 : memref<79x128xi32, #tpu.memory_space<vmem>>)
      tpu.yield
    }) : () -> ()
    %barrier3A = arith.constant 0 : index
    tpu.barrier barrier_id(%barrier3A)
    %scan3A_13 = arith.constant 0 : i32
    %scan3A_14 = arith.constant 79 : i32
    %scan3A_15 = arith.addi %scan3A_13, %scan3A_14 : i32
    %scan3A_16 = arith.constant 1 : i32
    scf.for %scan3A_19 = %scan3A_13 to %scan3A_15 step %scan3A_16  : i32 {
      %mul3A_20 = arith.constant 1 : i32
      %mul3A_21 = arith.muli %scan3A_19, %mul3A_20 : i32
      %add3A_22 = arith.constant 0 : i32
      %add3A_23 = arith.addi %add3A_22, %mul3A_21 : i32
      "tpu.region"() ({
        %run_scoped3A = tpu.sem_alloc : memref<!tpu.dma_semaphore, #tpu.memory_space<semaphore_mem>>
        %dma_start3A = arith.constant 0 : i32
        %dma_start3A_24 = tpu.memref_slice %arg6[%add3A_23, %dma_start3A] : memref<79x128xi32, #tpu.memory_space<vmem>> -> memref<1x128xi32, #tpu.memory_space<vmem>>
        %dma_start3A_25 = tpu.memref_squeeze %dma_start3A_24 : memref<1x128xi32, #tpu.memory_space<vmem>> -> memref<128xi32, #tpu.memory_space<vmem>>
        %dma_start3A_26 = arith.constant 0 : i32
        %dma_start3A_27 = arith.constant 0 : i32
        %dma_start3A_28 = tpu.memref_slice %arg4[%dma_start3A_26, %dma_start3A_27] : memref<10240x128xf32, #tpu.memory_space<hbm>> -> memref<10240x128xf32, #tpu.memory_space<hbm>>
        tpu.enqueue_indirect_dma source(%dma_start3A_28 : memref<10240x128xf32, #tpu.memory_space<hbm>>) target(%arg8 : memref<128x128xf32, #tpu.memory_space<vmem>>) offsets(%dma_start3A_25 : memref<128xi32, #tpu.memory_space<vmem>>) semaphore(%run_scoped3A : memref<!tpu.dma_semaphore, #tpu.memory_space<semaphore_mem>>)
        %dma_wait3A = arith.constant 0 : i32
        %dma_wait3A_29 = tpu.memref_slice %arg6[%add3A_23, %dma_wait3A] : memref<79x128xi32, #tpu.memory_space<vmem>> -> memref<1x128xi32, #tpu.memory_space<vmem>>
        %dma_wait3A_30 = tpu.memref_squeeze %dma_wait3A_29 : memref<1x128xi32, #tpu.memory_space<vmem>> -> memref<128xi32, #tpu.memory_space<vmem>>
        %dma_wait3A_31 = arith.constant 0 : i32
        %dma_wait3A_32 = arith.constant 0 : i32
        %dma_wait3A_33 = tpu.memref_slice %arg4[%dma_wait3A_31, %dma_wait3A_32] : memref<10240x128xf32, #tpu.memory_space<hbm>> -> memref<10240x128xf32, #tpu.memory_space<hbm>>
        tpu.wait_indirect_dma semaphore(%run_scoped3A : memref<!tpu.dma_semaphore, #tpu.memory_space<semaphore_mem>>) src(%dma_wait3A_33 : memref<10240x128xf32, #tpu.memory_space<hbm>>) dst(%arg8 : memref<128x128xf32, #tpu.memory_space<vmem>>)
        tpu.yield
      }) : () -> ()
      "tpu.region"() ({
        %run_scoped3A = tpu.sem_alloc : memref<!tpu.dma_semaphore, #tpu.memory_space<semaphore_mem>>
        %dma_start3A = arith.constant 0 : i32
        %dma_start3A_24 = tpu.memref_slice %arg7[%add3A_23, %dma_start3A] : memref<79x128xi32, #tpu.memory_space<vmem>> -> memref<1x128xi32, #tpu.memory_space<vmem>>
        %dma_start3A_25 = tpu.memref_squeeze %dma_start3A_24 : memref<1x128xi32, #tpu.memory_space<vmem>> -> memref<128xi32, #tpu.memory_space<vmem>>
        %dma_start3A_26 = arith.constant 0 : i32
        %dma_start3A_27 = arith.constant 0 : i32
        %dma_start3A_28 = tpu.memref_slice %arg9[%dma_start3A_26, %dma_start3A_27] : memref<10240x128xf32, #tpu.memory_space<vmem_shared>> -> memref<10240x128xf32, #tpu.memory_space<vmem_shared>>
        tpu.enqueue_indirect_dma source(%arg8 : memref<128x128xf32, #tpu.memory_space<vmem>>) target(%dma_start3A_28 : memref<10240x128xf32, #tpu.memory_space<vmem_shared>>) offsets(%dma_start3A_25 : memref<128xi32, #tpu.memory_space<vmem>>) semaphore(%run_scoped3A : memref<!tpu.dma_semaphore, #tpu.memory_space<semaphore_mem>>) {add = true}
        %dma_wait3A = arith.constant 0 : i32
        %dma_wait3A_29 = tpu.memref_slice %arg7[%add3A_23, %dma_wait3A] : memref<79x128xi32, #tpu.memory_space<vmem>> -> memref<1x128xi32, #tpu.memory_space<vmem>>
        %dma_wait3A_30 = tpu.memref_squeeze %dma_wait3A_29 : memref<1x128xi32, #tpu.memory_space<vmem>> -> memref<128xi32, #tpu.memory_space<vmem>>
        %dma_wait3A_31 = arith.constant 0 : i32
        %dma_wait3A_32 = arith.constant 0 : i32
        %dma_wait3A_33 = tpu.memref_slice %arg9[%dma_wait3A_31, %dma_wait3A_32] : memref<10240x128xf32, #tpu.memory_space<vmem_shared>> -> memref<10240x128xf32, #tpu.memory_space<vmem_shared>>
        tpu.wait_indirect_dma semaphore(%run_scoped3A : memref<!tpu.dma_semaphore, #tpu.memory_space<semaphore_mem>>) src(%arg8 : memref<128x128xf32, #tpu.memory_space<vmem>>) dst(%dma_wait3A_33 : memref<10240x128xf32, #tpu.memory_space<vmem_shared>>)
        tpu.yield
      }) : () -> ()
    }
    %scan3A_17 = arith.constant 79 : i32
    %barrier3A_18 = arith.constant 0 : index
    tpu.barrier barrier_id(%barrier3A_18)
    "tpu.region"() ({
      %run_scoped3A = tpu.sem_alloc : memref<!tpu.dma_semaphore, #tpu.memory_space<semaphore_mem>>
      %dma_start3A = arith.constant 0 : i32
      %dma_start3A_19 = tpu.memref_slice %arg5[%arg0, %mul3A_2, %dma_start3A] : memref<2x10240x128xf32, #tpu.memory_space<hbm>> -> memref<1x640x128xf32, #tpu.memory_space<hbm>>
      %dma_start3A_20 = tpu.memref_squeeze %dma_start3A_19 : memref<1x640x128xf32, #tpu.memory_space<hbm>> -> memref<640x128xf32, #tpu.memory_space<hbm>>
      %dma_start3A_21 = arith.constant 0 : i32
      %dma_start3A_22 = tpu.memref_slice %arg9[%mul3A_2, %dma_start3A_21] : memref<10240x128xf32, #tpu.memory_space<vmem_shared>> -> memref<640x128xf32, #tpu.memory_space<vmem_shared>>
      tpu.enqueue_dma source(%dma_start3A_22 : memref<640x128xf32, #tpu.memory_space<vmem_shared>>) target(%dma_start3A_20 : memref<640x128xf32, #tpu.memory_space<hbm>>) target_semaphore(%run_scoped3A : memref<!tpu.dma_semaphore, #tpu.memory_space<semaphore_mem>>)
      %dma_wait3A = arith.constant 0 : i32
      %dma_wait3A_23 = tpu.memref_slice %arg5[%arg0, %mul3A_2, %dma_wait3A] : memref<2x10240x128xf32, #tpu.memory_space<hbm>> -> memref<1x640x128xf32, #tpu.memory_space<hbm>>
      %dma_wait3A_24 = tpu.memref_squeeze %dma_wait3A_23 : memref<1x640x128xf32, #tpu.memory_space<hbm>> -> memref<640x128xf32, #tpu.memory_space<hbm>>
      %dma_wait3A_25 = arith.constant 0 : i32
      %dma_wait3A_26 = tpu.memref_slice %arg9[%mul3A_2, %dma_wait3A_25] : memref<10240x128xf32, #tpu.memory_space<vmem_shared>> -> memref<640x128xf32, #tpu.memory_space<vmem_shared>>
      tpu.wait_dma2 semaphore(%run_scoped3A : memref<!tpu.dma_semaphore, #tpu.memory_space<semaphore_mem>>) src(%dma_wait3A_26 : memref<640x128xf32, #tpu.memory_space<vmem_shared>>) dst(%dma_wait3A_24 : memref<640x128xf32, #tpu.memory_space<hbm>>)
      tpu.yield
    }) : () -> ()
    return
  }
}

#map = affine_map<(d0, d1) -> (0, 0, 0)>
#map1 = affine_map<(d0, d1) -> (0, 0)>
module attributes {stable_mosaic.version = 14 : i64} {
  func.func @deg_k(%arg0: i32, %arg1: i32, %arg2: memref<32x79x128xi32, #tpu.memory_space<hbm>>, %arg3: memref<2x10240xf32, #tpu.memory_space<hbm>>, %arg4: memref<79x128xi32, #tpu.memory_space<vmem>>, %arg5: memref<128xf32, #tpu.memory_space<vmem>>, %arg6: memref<640xf32, #tpu.memory_space<vmem>>, %arg7: memref<10240xf32, #tpu.memory_space<vmem_shared>>) attributes {dimension_semantics = [#tpu.dimension_semantics<core_parallel>, #tpu.dimension_semantics<subcore_parallel>], iteration_bounds = array<i64: 2, 16>, scalar_prefetch = 0 : i64, scratch_operands = 4 : i64, tpu.core_type = #tpu.core_type<sc_vector_subcore>, window_params = [{transform_indices = #map}, {transform_indices = #map1}]} {
    %mul3A = arith.constant 16 : i32
    %mul3A_0 = arith.muli %arg0, %mul3A : i32
    %add3A = arith.addi %mul3A_0, %arg1 : i32
    %mul3A_1 = arith.constant 640 : i32
    %mul3A_2 = arith.muli %arg1, %mul3A_1 : i32
    %broadcast_in_dim3A = arith.constant 1.000000e+00 : f32
    %broadcast_in_dim3A_3 = vector.broadcast %broadcast_in_dim3A : f32 to vector<16xf32>
    %broadcast_in_dim3A_4 = arith.constant 0.000000e+00 : f32
    %broadcast_in_dim3A_5 = vector.broadcast %broadcast_in_dim3A_4 : f32 to vector<16xf32>
    %scan3A = arith.constant 0 : i32
    %scan3A_6 = arith.constant 8 : i32
    %scan3A_7 = arith.addi %scan3A, %scan3A_6 : i32
    %scan3A_8 = arith.constant 1 : i32
    scf.for %scan3A_21 = %scan3A to %scan3A_7 step %scan3A_8  : i32 {
      %mul3A_22 = arith.constant 1 : i32
      %mul3A_23 = arith.muli %scan3A_21, %mul3A_22 : i32
      %add3A_24 = arith.constant 0 : i32
      %add3A_25 = arith.addi %add3A_24, %mul3A_23 : i32
      %mul3A_26 = arith.constant 16 : i32
      %mul3A_27 = arith.muli %add3A_25, %mul3A_26 : i32
      %swap3A = arith.index_cast %mul3A_27 : i32 to index
      %swap3A_28 = tpu.vector_load %arg5[%swap3A] {strides = array<i32>} : memref<128xf32, #tpu.memory_space<vmem>>, vector<16xf32>,
      %swap3A_29 = vector.shape_cast %swap3A_28 : vector<16xf32> to vector<16xf32>
      %swap3A_30 = vector.shape_cast %broadcast_in_dim3A_3 : vector<16xf32> to vector<16xf32>
      tpu.vector_store %arg5[%swap3A], %swap3A_30 {strides = array<i32>} : memref<128xf32, #tpu.memory_space<vmem>>, vector<16xf32>,
    }
    %scan3A_9 = arith.constant 8 : i32
    %scan3A_10 = arith.constant 0 : i32
    %scan3A_11 = arith.constant 40 : i32
    %scan3A_12 = arith.addi %scan3A_10, %scan3A_11 : i32
    %scan3A_13 = arith.constant 1 : i32
    scf.for %scan3A_21 = %scan3A_10 to %scan3A_12 step %scan3A_13  : i32 {
      %mul3A_22 = arith.constant 1 : i32
      %mul3A_23 = arith.muli %scan3A_21, %mul3A_22 : i32
      %add3A_24 = arith.constant 0 : i32
      %add3A_25 = arith.addi %add3A_24, %mul3A_23 : i32
      %mul3A_26 = arith.constant 16 : i32
      %mul3A_27 = arith.muli %add3A_25, %mul3A_26 : i32
      %swap3A = arith.index_cast %mul3A_27 : i32 to index
      %swap3A_28 = tpu.vector_load %arg6[%swap3A] {strides = array<i32>} : memref<640xf32, #tpu.memory_space<vmem>>, vector<16xf32>,
      %swap3A_29 = vector.shape_cast %swap3A_28 : vector<16xf32> to vector<16xf32>
      %swap3A_30 = vector.shape_cast %broadcast_in_dim3A_5 : vector<16xf32> to vector<16xf32>
      tpu.vector_store %arg6[%swap3A], %swap3A_30 {strides = array<i32>} : memref<640xf32, #tpu.memory_space<vmem>>, vector<16xf32>,
    }
    %scan3A_14 = arith.constant 40 : i32
    "tpu.region"() ({
      %run_scoped3A = tpu.sem_alloc : memref<!tpu.dma_semaphore, #tpu.memory_space<semaphore_mem>>
      %dma_start3A = tpu.memref_slice %arg7[%mul3A_2] : memref<10240xf32, #tpu.memory_space<vmem_shared>> -> memref<640xf32, #tpu.memory_space<vmem_shared>>
      %dma_start3A_21 = tpu.memref_slice %arg7[%mul3A_2] : memref<10240xf32, #tpu.memory_space<vmem_shared>> -> memref<640xf32, #tpu.memory_space<vmem_shared>>
      tpu.enqueue_dma source(%arg6 : memref<640xf32, #tpu.memory_space<vmem>>) target(%dma_start3A_21 : memref<640xf32, #tpu.memory_space<vmem_shared>>) target_semaphore(%run_scoped3A : memref<!tpu.dma_semaphore, #tpu.memory_space<semaphore_mem>>)
      %dma_wait3A = tpu.memref_slice %arg7[%mul3A_2] : memref<10240xf32, #tpu.memory_space<vmem_shared>> -> memref<640xf32, #tpu.memory_space<vmem_shared>>
      %dma_wait3A_22 = tpu.memref_slice %arg7[%mul3A_2] : memref<10240xf32, #tpu.memory_space<vmem_shared>> -> memref<640xf32, #tpu.memory_space<vmem_shared>>
      tpu.wait_dma2 semaphore(%run_scoped3A : memref<!tpu.dma_semaphore, #tpu.memory_space<semaphore_mem>>) src(%arg6 : memref<640xf32, #tpu.memory_space<vmem>>) dst(%dma_wait3A_22 : memref<640xf32, #tpu.memory_space<vmem_shared>>)
      tpu.yield
    }) : () -> ()
    "tpu.region"() ({
      %run_scoped3A = tpu.sem_alloc : memref<!tpu.dma_semaphore, #tpu.memory_space<semaphore_mem>>
      %dma_start3A = arith.constant 0 : i32
      %dma_start3A_21 = arith.constant 0 : i32
      %dma_start3A_22 = tpu.memref_slice %arg2[%add3A, %dma_start3A, %dma_start3A_21] : memref<32x79x128xi32, #tpu.memory_space<hbm>> -> memref<1x79x128xi32, #tpu.memory_space<hbm>>
      %dma_start3A_23 = tpu.memref_squeeze %dma_start3A_22 : memref<1x79x128xi32, #tpu.memory_space<hbm>> -> memref<79x128xi32, #tpu.memory_space<hbm>>
      %dma_start3A_24 = arith.constant 0 : i32
      %dma_start3A_25 = arith.constant 0 : i32
      %dma_start3A_26 = tpu.memref_slice %arg2[%add3A, %dma_start3A_24, %dma_start3A_25] : memref<32x79x128xi32, #tpu.memory_space<hbm>> -> memref<1x79x128xi32, #tpu.memory_space<hbm>>
      %dma_start3A_27 = tpu.memref_squeeze %dma_start3A_26 : memref<1x79x128xi32, #tpu.memory_space<hbm>> -> memref<79x128xi32, #tpu.memory_space<hbm>>
      tpu.enqueue_dma source(%dma_start3A_27 : memref<79x128xi32, #tpu.memory_space<hbm>>) target(%arg4 : memref<79x128xi32, #tpu.memory_space<vmem>>) target_semaphore(%run_scoped3A : memref<!tpu.dma_semaphore, #tpu.memory_space<semaphore_mem>>)
      %dma_wait3A = arith.constant 0 : i32
      %dma_wait3A_28 = arith.constant 0 : i32
      %dma_wait3A_29 = tpu.memref_slice %arg2[%add3A, %dma_wait3A, %dma_wait3A_28] : memref<32x79x128xi32, #tpu.memory_space<hbm>> -> memref<1x79x128xi32, #tpu.memory_space<hbm>>
      %dma_wait3A_30 = tpu.memref_squeeze %dma_wait3A_29 : memref<1x79x128xi32, #tpu.memory_space<hbm>> -> memref<79x128xi32, #tpu.memory_space<hbm>>
      %dma_wait3A_31 = arith.constant 0 : i32
      %dma_wait3A_32 = arith.constant 0 : i32
      %dma_wait3A_33 = tpu.memref_slice %arg2[%add3A, %dma_wait3A_31, %dma_wait3A_32] : memref<32x79x128xi32, #tpu.memory_space<hbm>> -> memref<1x79x128xi32, #tpu.memory_space<hbm>>
      %dma_wait3A_34 = tpu.memref_squeeze %dma_wait3A_33 : memref<1x79x128xi32, #tpu.memory_space<hbm>> -> memref<79x128xi32, #tpu.memory_space<hbm>>
      tpu.wait_dma2 semaphore(%run_scoped3A : memref<!tpu.dma_semaphore, #tpu.memory_space<semaphore_mem>>) src(%dma_wait3A_34 : memref<79x128xi32, #tpu.memory_space<hbm>>) dst(%arg4 : memref<79x128xi32, #tpu.memory_space<vmem>>)
      tpu.yield
    }) : () -> ()
    %barrier3A = arith.constant 0 : index
    tpu.barrier barrier_id(%barrier3A)
    %scan3A_15 = arith.constant 0 : i32
    %scan3A_16 = arith.constant 79 : i32
    %scan3A_17 = arith.addi %scan3A_15, %scan3A_16 : i32
    %scan3A_18 = arith.constant 1 : i32
    scf.for %scan3A_21 = %scan3A_15 to %scan3A_17 step %scan3A_18  : i32 {
      %mul3A_22 = arith.constant 1 : i32
      %mul3A_23 = arith.muli %scan3A_21, %mul3A_22 : i32
      %add3A_24 = arith.constant 0 : i32
      %add3A_25 = arith.addi %add3A_24, %mul3A_23 : i32
      "tpu.region"() ({
        %run_scoped3A = tpu.sem_alloc : memref<!tpu.dma_semaphore, #tpu.memory_space<semaphore_mem>>
        %dma_start3A = arith.constant 0 : i32
        %dma_start3A_26 = tpu.memref_slice %arg4[%add3A_25, %dma_start3A] : memref<79x128xi32, #tpu.memory_space<vmem>> -> memref<1x128xi32, #tpu.memory_space<vmem>>
        %dma_start3A_27 = tpu.memref_squeeze %dma_start3A_26 : memref<1x128xi32, #tpu.memory_space<vmem>> -> memref<128xi32, #tpu.memory_space<vmem>>
        %dma_start3A_28 = arith.constant 0 : i32
        %dma_start3A_29 = tpu.memref_slice %arg7[%dma_start3A_28] : memref<10240xf32, #tpu.memory_space<vmem_shared>> -> memref<10240xf32, #tpu.memory_space<vmem_shared>>
        tpu.enqueue_indirect_dma source(%arg5 : memref<128xf32, #tpu.memory_space<vmem>>) target(%dma_start3A_29 : memref<10240xf32, #tpu.memory_space<vmem_shared>>) offsets(%dma_start3A_27 : memref<128xi32, #tpu.memory_space<vmem>>) semaphore(%run_scoped3A : memref<!tpu.dma_semaphore, #tpu.memory_space<semaphore_mem>>) {add = true}
        %dma_wait3A = arith.constant 0 : i32
        %dma_wait3A_30 = tpu.memref_slice %arg4[%add3A_25, %dma_wait3A] : memref<79x128xi32, #tpu.memory_space<vmem>> -> memref<1x128xi32, #tpu.memory_space<vmem>>
        %dma_wait3A_31 = tpu.memref_squeeze %dma_wait3A_30 : memref<1x128xi32, #tpu.memory_space<vmem>> -> memref<128xi32, #tpu.memory_space<vmem>>
        %dma_wait3A_32 = arith.constant 0 : i32
        %dma_wait3A_33 = tpu.memref_slice %arg7[%dma_wait3A_32] : memref<10240xf32, #tpu.memory_space<vmem_shared>> -> memref<10240xf32, #tpu.memory_space<vmem_shared>>
        tpu.wait_indirect_dma semaphore(%run_scoped3A : memref<!tpu.dma_semaphore, #tpu.memory_space<semaphore_mem>>) src(%arg5 : memref<128xf32, #tpu.memory_space<vmem>>) dst(%dma_wait3A_33 : memref<10240xf32, #tpu.memory_space<vmem_shared>>)
        tpu.yield
      }) : () -> ()
    }
    %scan3A_19 = arith.constant 79 : i32
    %barrier3A_20 = arith.constant 0 : index
    tpu.barrier barrier_id(%barrier3A_20)
    "tpu.region"() ({
      %run_scoped3A = tpu.sem_alloc : memref<!tpu.dma_semaphore, #tpu.memory_space<semaphore_mem>>
      %dma_start3A = tpu.memref_slice %arg7[%mul3A_2] : memref<10240xf32, #tpu.memory_space<vmem_shared>> -> memref<640xf32, #tpu.memory_space<vmem_shared>>
      %dma_start3A_21 = tpu.memref_slice %arg7[%mul3A_2] : memref<10240xf32, #tpu.memory_space<vmem_shared>> -> memref<640xf32, #tpu.memory_space<vmem_shared>>
      tpu.enqueue_dma source(%dma_start3A_21 : memref<640xf32, #tpu.memory_space<vmem_shared>>) target(%arg6 : memref<640xf32, #tpu.memory_space<vmem>>) target_semaphore(%run_scoped3A : memref<!tpu.dma_semaphore, #tpu.memory_space<semaphore_mem>>)
      %dma_wait3A = tpu.memref_slice %arg7[%mul3A_2] : memref<10240xf32, #tpu.memory_space<vmem_shared>> -> memref<640xf32, #tpu.memory_space<vmem_shared>>
      %dma_wait3A_22 = tpu.memref_slice %arg7[%mul3A_2] : memref<10240xf32, #tpu.memory_space<vmem_shared>> -> memref<640xf32, #tpu.memory_space<vmem_shared>>
      tpu.wait_dma2 semaphore(%run_scoped3A : memref<!tpu.dma_semaphore, #tpu.memory_space<semaphore_mem>>) src(%dma_wait3A_22 : memref<640xf32, #tpu.memory_space<vmem_shared>>) dst(%arg6 : memref<640xf32, #tpu.memory_space<vmem>>)
      tpu.yield
    }) : () -> ()
    "tpu.region"() ({
      %run_scoped3A = tpu.sem_alloc : memref<!tpu.dma_semaphore, #tpu.memory_space<semaphore_mem>>
      %dma_start3A = tpu.memref_slice %arg3[%arg0, %mul3A_2] : memref<2x10240xf32, #tpu.memory_space<hbm>> -> memref<1x640xf32, #tpu.memory_space<hbm>>
      %dma_start3A_21 = tpu.memref_squeeze %dma_start3A : memref<1x640xf32, #tpu.memory_space<hbm>> -> memref<640xf32, #tpu.memory_space<hbm>>
      %dma_start3A_22 = tpu.memref_slice %arg3[%arg0, %mul3A_2] : memref<2x10240xf32, #tpu.memory_space<hbm>> -> memref<1x640xf32, #tpu.memory_space<hbm>>
      %dma_start3A_23 = tpu.memref_squeeze %dma_start3A_22 : memref<1x640xf32, #tpu.memory_space<hbm>> -> memref<640xf32, #tpu.memory_space<hbm>>
      tpu.enqueue_dma source(%arg6 : memref<640xf32, #tpu.memory_space<vmem>>) target(%dma_start3A_23 : memref<640xf32, #tpu.memory_space<hbm>>) target_semaphore(%run_scoped3A : memref<!tpu.dma_semaphore, #tpu.memory_space<semaphore_mem>>)
      %dma_wait3A = tpu.memref_slice %arg3[%arg0, %mul3A_2] : memref<2x10240xf32, #tpu.memory_space<hbm>> -> memref<1x640xf32, #tpu.memory_space<hbm>>
      %dma_wait3A_24 = tpu.memref_squeeze %dma_wait3A : memref<1x640xf32, #tpu.memory_space<hbm>> -> memref<640xf32, #tpu.memory_space<hbm>>
      %dma_wait3A_25 = tpu.memref_slice %arg3[%arg0, %mul3A_2] : memref<2x10240xf32, #tpu.memory_space<hbm>> -> memref<1x640xf32, #tpu.memory_space<hbm>>
      %dma_wait3A_26 = tpu.memref_squeeze %dma_wait3A_25 : memref<1x640xf32, #tpu.memory_space<hbm>> -> memref<640xf32, #tpu.memory_space<hbm>>
      tpu.wait_dma2 semaphore(%run_scoped3A : memref<!tpu.dma_semaphore, #tpu.memory_space<semaphore_mem>>) src(%arg6 : memref<640xf32, #tpu.memory_space<vmem>>) dst(%dma_wait3A_26 : memref<640xf32, #tpu.memory_space<hbm>>)
      tpu.yield
    }) : () -> ()
    return
  }
}

#map = affine_map<(d0, d1) -> (0, 0, 0)>
#map1 = affine_map<(d0, d1) -> (0, 0)>
module attributes {stable_mosaic.version = 14 : i64} {
  func.func @agg_k(%arg0: i32, %arg1: i32, %arg2: memref<32x79x128xi32, #tpu.memory_space<hbm>>, %arg3: memref<32x79x128xi32, #tpu.memory_space<hbm>>, %arg4: memref<10240x128xf32, #tpu.memory_space<hbm>>, %arg5: memref<2x10240x128xf32, #tpu.memory_space<hbm>>, %arg6: memref<79x128xi32, #tpu.memory_space<vmem>>, %arg7: memref<79x128xi32, #tpu.memory_space<vmem>>, %arg8: memref<128x128xf32, #tpu.memory_space<vmem>>, %arg9: memref<10240x128xf32, #tpu.memory_space<vmem_shared>>) attributes {dimension_semantics = [#tpu.dimension_semantics<core_parallel>, #tpu.dimension_semantics<subcore_parallel>], iteration_bounds = array<i64: 2, 16>, scalar_prefetch = 0 : i64, scratch_operands = 4 : i64, tpu.core_type = #tpu.core_type<sc_vector_subcore>, window_params = [{transform_indices = #map}, {transform_indices = #map}, {transform_indices = #map1}, {transform_indices = #map}]} {
    %mul3A = arith.constant 16 : i32
    %mul3A_0 = arith.muli %arg0, %mul3A : i32
    %add3A = arith.addi %mul3A_0, %arg1 : i32
    %mul3A_1 = arith.constant 640 : i32
    %mul3A_2 = arith.muli %arg1, %mul3A_1 : i32
    %broadcast_in_dim3A = arith.constant 0.000000e+00 : f32
    %broadcast_in_dim3A_3 = vector.broadcast %broadcast_in_dim3A : f32 to vector<16xf32>
    %scan3A = arith.constant 0 : i32
    %scan3A_4 = arith.constant 128 : i32
    %scan3A_5 = arith.addi %scan3A, %scan3A_4 : i32
    %scan3A_6 = arith.constant 1 : i32
    scf.for %scan3A_19 = %scan3A to %scan3A_5 step %scan3A_6  : i32 {
      %mul3A_20 = arith.constant 1 : i32
      %mul3A_21 = arith.muli %scan3A_19, %mul3A_20 : i32
      %add3A_22 = arith.constant 0 : i32
      %add3A_23 = arith.addi %add3A_22, %mul3A_21 : i32
      %scan3A_24 = arith.constant 0 : i32
      %scan3A_25 = arith.constant 8 : i32
      %scan3A_26 = arith.addi %scan3A_24, %scan3A_25 : i32
      %scan3A_27 = arith.constant 1 : i32
      scf.for %scan3A_29 = %scan3A_24 to %scan3A_26 step %scan3A_27  : i32 {
        %mul3A_30 = arith.constant 1 : i32
        %mul3A_31 = arith.muli %scan3A_29, %mul3A_30 : i32
        %add3A_32 = arith.constant 0 : i32
        %add3A_33 = arith.addi %add3A_32, %mul3A_31 : i32
        %mul3A_34 = arith.constant 16 : i32
        %mul3A_35 = arith.muli %add3A_33, %mul3A_34 : i32
        %swap3A = arith.index_cast %add3A_23 : i32 to index
        %swap3A_36 = arith.index_cast %mul3A_35 : i32 to index
        %swap3A_37 = tpu.vector_load %arg8[%swap3A, %swap3A_36] {strides = array<i32>} : memref<128x128xf32, #tpu.memory_space<vmem>>, vector<1x16xf32>,
        %swap3A_38 = vector.shape_cast %swap3A_37 : vector<1x16xf32> to vector<16xf32>
        %swap3A_39 = vector.shape_cast %broadcast_in_dim3A_3 : vector<16xf32> to vector<1x16xf32>
        tpu.vector_store %arg8[%swap3A, %swap3A_36], %swap3A_39 {strides = array<i32>} : memref<128x128xf32, #tpu.memory_space<vmem>>, vector<1x16xf32>,
      }
      %scan3A_28 = arith.constant 8 : i32
    }
    %scan3A_7 = arith.constant 128 : i32
    %scan3A_8 = arith.constant 0 : i32
    %scan3A_9 = arith.constant 5 : i32
    %scan3A_10 = arith.addi %scan3A_8, %scan3A_9 : i32
    %scan3A_11 = arith.constant 1 : i32
    scf.for %scan3A_19 = %scan3A_8 to %scan3A_10 step %scan3A_11  : i32 {
      %mul3A_20 = arith.constant 1 : i32
      %mul3A_21 = arith.muli %scan3A_19, %mul3A_20 : i32
      %add3A_22 = arith.constant 0 : i32
      %add3A_23 = arith.addi %add3A_22, %mul3A_21 : i32
      %mul3A_24 = arith.constant 128 : i32
      %mul3A_25 = arith.muli %add3A_23, %mul3A_24 : i32
      %add3A_26 = arith.addi %mul3A_2, %mul3A_25 : i32
      "tpu.region"() ({
        %run_scoped3A = tpu.sem_alloc : memref<!tpu.dma_semaphore, #tpu.memory_space<semaphore_mem>>
        %dma_start3A = arith.constant 0 : i32
        %dma_start3A_27 = tpu.memref_slice %arg9[%add3A_26, %dma_start3A] : memref<10240x128xf32, #tpu.memory_space<vmem_shared>> -> memref<128x128xf32, #tpu.memory_space<vmem_shared>>
        %dma_start3A_28 = arith.constant 0 : i32
        %dma_start3A_29 = tpu.memref_slice %arg9[%add3A_26, %dma_start3A_28] : memref<10240x128xf32, #tpu.memory_space<vmem_shared>> -> memref<128x128xf32, #tpu.memory_space<vmem_shared>>
        tpu.enqueue_dma source(%arg8 : memref<128x128xf32, #tpu.memory_space<vmem>>) target(%dma_start3A_29 : memref<128x128xf32, #tpu.memory_space<vmem_shared>>) target_semaphore(%run_scoped3A : memref<!tpu.dma_semaphore, #tpu.memory_space<semaphore_mem>>)
        %dma_wait3A = arith.constant 0 : i32
        %dma_wait3A_30 = tpu.memref_slice %arg9[%add3A_26, %dma_wait3A] : memref<10240x128xf32, #tpu.memory_space<vmem_shared>> -> memref<128x128xf32, #tpu.memory_space<vmem_shared>>
        %dma_wait3A_31 = arith.constant 0 : i32
        %dma_wait3A_32 = tpu.memref_slice %arg9[%add3A_26, %dma_wait3A_31] : memref<10240x128xf32, #tpu.memory_space<vmem_shared>> -> memref<128x128xf32, #tpu.memory_space<vmem_shared>>
        tpu.wait_dma2 semaphore(%run_scoped3A : memref<!tpu.dma_semaphore, #tpu.memory_space<semaphore_mem>>) src(%arg8 : memref<128x128xf32, #tpu.memory_space<vmem>>) dst(%dma_wait3A_32 : memref<128x128xf32, #tpu.memory_space<vmem_shared>>)
        tpu.yield
      }) : () -> ()
    }
    %scan3A_12 = arith.constant 5 : i32
    "tpu.region"() ({
      %run_scoped3A = tpu.sem_alloc : memref<!tpu.dma_semaphore, #tpu.memory_space<semaphore_mem>>
      %dma_start3A = arith.constant 0 : i32
      %dma_start3A_19 = arith.constant 0 : i32
      %dma_start3A_20 = tpu.memref_slice %arg2[%add3A, %dma_start3A, %dma_start3A_19] : memref<32x79x128xi32, #tpu.memory_space<hbm>> -> memref<1x79x128xi32, #tpu.memory_space<hbm>>
      %dma_start3A_21 = tpu.memref_squeeze %dma_start3A_20 : memref<1x79x128xi32, #tpu.memory_space<hbm>> -> memref<79x128xi32, #tpu.memory_space<hbm>>
      %dma_start3A_22 = arith.constant 0 : i32
      %dma_start3A_23 = arith.constant 0 : i32
      %dma_start3A_24 = tpu.memref_slice %arg2[%add3A, %dma_start3A_22, %dma_start3A_23] : memref<32x79x128xi32, #tpu.memory_space<hbm>> -> memref<1x79x128xi32, #tpu.memory_space<hbm>>
      %dma_start3A_25 = tpu.memref_squeeze %dma_start3A_24 : memref<1x79x128xi32, #tpu.memory_space<hbm>> -> memref<79x128xi32, #tpu.memory_space<hbm>>
      tpu.enqueue_dma source(%dma_start3A_25 : memref<79x128xi32, #tpu.memory_space<hbm>>) target(%arg6 : memref<79x128xi32, #tpu.memory_space<vmem>>) target_semaphore(%run_scoped3A : memref<!tpu.dma_semaphore, #tpu.memory_space<semaphore_mem>>)
      %dma_wait3A = arith.constant 0 : i32
      %dma_wait3A_26 = arith.constant 0 : i32
      %dma_wait3A_27 = tpu.memref_slice %arg2[%add3A, %dma_wait3A, %dma_wait3A_26] : memref<32x79x128xi32, #tpu.memory_space<hbm>> -> memref<1x79x128xi32, #tpu.memory_space<hbm>>
      %dma_wait3A_28 = tpu.memref_squeeze %dma_wait3A_27 : memref<1x79x128xi32, #tpu.memory_space<hbm>> -> memref<79x128xi32, #tpu.memory_space<hbm>>
      %dma_wait3A_29 = arith.constant 0 : i32
      %dma_wait3A_30 = arith.constant 0 : i32
      %dma_wait3A_31 = tpu.memref_slice %arg2[%add3A, %dma_wait3A_29, %dma_wait3A_30] : memref<32x79x128xi32, #tpu.memory_space<hbm>> -> memref<1x79x128xi32, #tpu.memory_space<hbm>>
      %dma_wait3A_32 = tpu.memref_squeeze %dma_wait3A_31 : memref<1x79x128xi32, #tpu.memory_space<hbm>> -> memref<79x128xi32, #tpu.memory_space<hbm>>
      tpu.wait_dma2 semaphore(%run_scoped3A : memref<!tpu.dma_semaphore, #tpu.memory_space<semaphore_mem>>) src(%dma_wait3A_32 : memref<79x128xi32, #tpu.memory_space<hbm>>) dst(%arg6 : memref<79x128xi32, #tpu.memory_space<vmem>>)
      tpu.yield
    }) : () -> ()
    "tpu.region"() ({
      %run_scoped3A = tpu.sem_alloc : memref<!tpu.dma_semaphore, #tpu.memory_space<semaphore_mem>>
      %dma_start3A = arith.constant 0 : i32
      %dma_start3A_19 = arith.constant 0 : i32
      %dma_start3A_20 = tpu.memref_slice %arg3[%add3A, %dma_start3A, %dma_start3A_19] : memref<32x79x128xi32, #tpu.memory_space<hbm>> -> memref<1x79x128xi32, #tpu.memory_space<hbm>>
      %dma_start3A_21 = tpu.memref_squeeze %dma_start3A_20 : memref<1x79x128xi32, #tpu.memory_space<hbm>> -> memref<79x128xi32, #tpu.memory_space<hbm>>
      %dma_start3A_22 = arith.constant 0 : i32
      %dma_start3A_23 = arith.constant 0 : i32
      %dma_start3A_24 = tpu.memref_slice %arg3[%add3A, %dma_start3A_22, %dma_start3A_23] : memref<32x79x128xi32, #tpu.memory_space<hbm>> -> memref<1x79x128xi32, #tpu.memory_space<hbm>>
      %dma_start3A_25 = tpu.memref_squeeze %dma_start3A_24 : memref<1x79x128xi32, #tpu.memory_space<hbm>> -> memref<79x128xi32, #tpu.memory_space<hbm>>
      tpu.enqueue_dma source(%dma_start3A_25 : memref<79x128xi32, #tpu.memory_space<hbm>>) target(%arg7 : memref<79x128xi32, #tpu.memory_space<vmem>>) target_semaphore(%run_scoped3A : memref<!tpu.dma_semaphore, #tpu.memory_space<semaphore_mem>>)
      %dma_wait3A = arith.constant 0 : i32
      %dma_wait3A_26 = arith.constant 0 : i32
      %dma_wait3A_27 = tpu.memref_slice %arg3[%add3A, %dma_wait3A, %dma_wait3A_26] : memref<32x79x128xi32, #tpu.memory_space<hbm>> -> memref<1x79x128xi32, #tpu.memory_space<hbm>>
      %dma_wait3A_28 = tpu.memref_squeeze %dma_wait3A_27 : memref<1x79x128xi32, #tpu.memory_space<hbm>> -> memref<79x128xi32, #tpu.memory_space<hbm>>
      %dma_wait3A_29 = arith.constant 0 : i32
      %dma_wait3A_30 = arith.constant 0 : i32
      %dma_wait3A_31 = tpu.memref_slice %arg3[%add3A, %dma_wait3A_29, %dma_wait3A_30] : memref<32x79x128xi32, #tpu.memory_space<hbm>> -> memref<1x79x128xi32, #tpu.memory_space<hbm>>
      %dma_wait3A_32 = tpu.memref_squeeze %dma_wait3A_31 : memref<1x79x128xi32, #tpu.memory_space<hbm>> -> memref<79x128xi32, #tpu.memory_space<hbm>>
      tpu.wait_dma2 semaphore(%run_scoped3A : memref<!tpu.dma_semaphore, #tpu.memory_space<semaphore_mem>>) src(%dma_wait3A_32 : memref<79x128xi32, #tpu.memory_space<hbm>>) dst(%arg7 : memref<79x128xi32, #tpu.memory_space<vmem>>)
      tpu.yield
    }) : () -> ()
    %barrier3A = arith.constant 0 : index
    tpu.barrier barrier_id(%barrier3A)
    %scan3A_13 = arith.constant 0 : i32
    %scan3A_14 = arith.constant 79 : i32
    %scan3A_15 = arith.addi %scan3A_13, %scan3A_14 : i32
    %scan3A_16 = arith.constant 1 : i32
    scf.for %scan3A_19 = %scan3A_13 to %scan3A_15 step %scan3A_16  : i32 {
      %mul3A_20 = arith.constant 1 : i32
      %mul3A_21 = arith.muli %scan3A_19, %mul3A_20 : i32
      %add3A_22 = arith.constant 0 : i32
      %add3A_23 = arith.addi %add3A_22, %mul3A_21 : i32
      "tpu.region"() ({
        %run_scoped3A = tpu.sem_alloc : memref<!tpu.dma_semaphore, #tpu.memory_space<semaphore_mem>>
        %dma_start3A = arith.constant 0 : i32
        %dma_start3A_24 = tpu.memref_slice %arg6[%add3A_23, %dma_start3A] : memref<79x128xi32, #tpu.memory_space<vmem>> -> memref<1x128xi32, #tpu.memory_space<vmem>>
        %dma_start3A_25 = tpu.memref_squeeze %dma_start3A_24 : memref<1x128xi32, #tpu.memory_space<vmem>> -> memref<128xi32, #tpu.memory_space<vmem>>
        %dma_start3A_26 = arith.constant 0 : i32
        %dma_start3A_27 = arith.constant 0 : i32
        %dma_start3A_28 = tpu.memref_slice %arg4[%dma_start3A_26, %dma_start3A_27] : memref<10240x128xf32, #tpu.memory_space<hbm>> -> memref<10240x128xf32, #tpu.memory_space<hbm>>
        tpu.enqueue_indirect_dma source(%dma_start3A_28 : memref<10240x128xf32, #tpu.memory_space<hbm>>) target(%arg8 : memref<128x128xf32, #tpu.memory_space<vmem>>) offsets(%dma_start3A_25 : memref<128xi32, #tpu.memory_space<vmem>>) semaphore(%run_scoped3A : memref<!tpu.dma_semaphore, #tpu.memory_space<semaphore_mem>>)
        %dma_wait3A = arith.constant 0 : i32
        %dma_wait3A_29 = tpu.memref_slice %arg6[%add3A_23, %dma_wait3A] : memref<79x128xi32, #tpu.memory_space<vmem>> -> memref<1x128xi32, #tpu.memory_space<vmem>>
        %dma_wait3A_30 = tpu.memref_squeeze %dma_wait3A_29 : memref<1x128xi32, #tpu.memory_space<vmem>> -> memref<128xi32, #tpu.memory_space<vmem>>
        %dma_wait3A_31 = arith.constant 0 : i32
        %dma_wait3A_32 = arith.constant 0 : i32
        %dma_wait3A_33 = tpu.memref_slice %arg4[%dma_wait3A_31, %dma_wait3A_32] : memref<10240x128xf32, #tpu.memory_space<hbm>> -> memref<10240x128xf32, #tpu.memory_space<hbm>>
        tpu.wait_indirect_dma semaphore(%run_scoped3A : memref<!tpu.dma_semaphore, #tpu.memory_space<semaphore_mem>>) src(%dma_wait3A_33 : memref<10240x128xf32, #tpu.memory_space<hbm>>) dst(%arg8 : memref<128x128xf32, #tpu.memory_space<vmem>>)
        tpu.yield
      }) : () -> ()
      "tpu.region"() ({
        %run_scoped3A = tpu.sem_alloc : memref<!tpu.dma_semaphore, #tpu.memory_space<semaphore_mem>>
        %dma_start3A = arith.constant 0 : i32
        %dma_start3A_24 = tpu.memref_slice %arg7[%add3A_23, %dma_start3A] : memref<79x128xi32, #tpu.memory_space<vmem>> -> memref<1x128xi32, #tpu.memory_space<vmem>>
        %dma_start3A_25 = tpu.memref_squeeze %dma_start3A_24 : memref<1x128xi32, #tpu.memory_space<vmem>> -> memref<128xi32, #tpu.memory_space<vmem>>
        %dma_start3A_26 = arith.constant 0 : i32
        %dma_start3A_27 = arith.constant 0 : i32
        %dma_start3A_28 = tpu.memref_slice %arg9[%dma_start3A_26, %dma_start3A_27] : memref<10240x128xf32, #tpu.memory_space<vmem_shared>> -> memref<10240x128xf32, #tpu.memory_space<vmem_shared>>
        tpu.enqueue_indirect_dma source(%arg8 : memref<128x128xf32, #tpu.memory_space<vmem>>) target(%dma_start3A_28 : memref<10240x128xf32, #tpu.memory_space<vmem_shared>>) offsets(%dma_start3A_25 : memref<128xi32, #tpu.memory_space<vmem>>) semaphore(%run_scoped3A : memref<!tpu.dma_semaphore, #tpu.memory_space<semaphore_mem>>) {add = true}
        %dma_wait3A = arith.constant 0 : i32
        %dma_wait3A_29 = tpu.memref_slice %arg7[%add3A_23, %dma_wait3A] : memref<79x128xi32, #tpu.memory_space<vmem>> -> memref<1x128xi32, #tpu.memory_space<vmem>>
        %dma_wait3A_30 = tpu.memref_squeeze %dma_wait3A_29 : memref<1x128xi32, #tpu.memory_space<vmem>> -> memref<128xi32, #tpu.memory_space<vmem>>
        %dma_wait3A_31 = arith.constant 0 : i32
        %dma_wait3A_32 = arith.constant 0 : i32
        %dma_wait3A_33 = tpu.memref_slice %arg9[%dma_wait3A_31, %dma_wait3A_32] : memref<10240x128xf32, #tpu.memory_space<vmem_shared>> -> memref<10240x128xf32, #tpu.memory_space<vmem_shared>>
        tpu.wait_indirect_dma semaphore(%run_scoped3A : memref<!tpu.dma_semaphore, #tpu.memory_space<semaphore_mem>>) src(%arg8 : memref<128x128xf32, #tpu.memory_space<vmem>>) dst(%dma_wait3A_33 : memref<10240x128xf32, #tpu.memory_space<vmem_shared>>)
        tpu.yield
      }) : () -> ()
    }
    %scan3A_17 = arith.constant 79 : i32
    %barrier3A_18 = arith.constant 0 : index
    tpu.barrier barrier_id(%barrier3A_18)
    "tpu.region"() ({
      %run_scoped3A = tpu.sem_alloc : memref<!tpu.dma_semaphore, #tpu.memory_space<semaphore_mem>>
      %dma_start3A = arith.constant 0 : i32
      %dma_start3A_19 = tpu.memref_slice %arg5[%arg0, %mul3A_2, %dma_start3A] : memref<2x10240x128xf32, #tpu.memory_space<hbm>> -> memref<1x640x128xf32, #tpu.memory_space<hbm>>
      %dma_start3A_20 = tpu.memref_squeeze %dma_start3A_19 : memref<1x640x128xf32, #tpu.memory_space<hbm>> -> memref<640x128xf32, #tpu.memory_space<hbm>>
      %dma_start3A_21 = arith.constant 0 : i32
      %dma_start3A_22 = tpu.memref_slice %arg9[%mul3A_2, %dma_start3A_21] : memref<10240x128xf32, #tpu.memory_space<vmem_shared>> -> memref<640x128xf32, #tpu.memory_space<vmem_shared>>
      tpu.enqueue_dma source(%dma_start3A_22 : memref<640x128xf32, #tpu.memory_space<vmem_shared>>) target(%dma_start3A_20 : memref<640x128xf32, #tpu.memory_space<hbm>>) target_semaphore(%run_scoped3A : memref<!tpu.dma_semaphore, #tpu.memory_space<semaphore_mem>>)
      %dma_wait3A = arith.constant 0 : i32
      %dma_wait3A_23 = tpu.memref_slice %arg5[%arg0, %mul3A_2, %dma_wait3A] : memref<2x10240x128xf32, #tpu.memory_space<hbm>> -> memref<1x640x128xf32, #tpu.memory_space<hbm>>
      %dma_wait3A_24 = tpu.memref_squeeze %dma_wait3A_23 : memref<1x640x128xf32, #tpu.memory_space<hbm>> -> memref<640x128xf32, #tpu.memory_space<hbm>>
      %dma_wait3A_25 = arith.constant 0 : i32
      %dma_wait3A_26 = tpu.memref_slice %arg9[%mul3A_2, %dma_wait3A_25] : memref<10240x128xf32, #tpu.memory_space<vmem_shared>> -> memref<640x128xf32, #tpu.memory_space<vmem_shared>>
      tpu.wait_dma2 semaphore(%run_scoped3A : memref<!tpu.dma_semaphore, #tpu.memory_space<semaphore_mem>>) src(%dma_wait3A_26 : memref<640x128xf32, #tpu.memory_space<vmem_shared>>) dst(%dma_wait3A_24 : memref<640x128xf32, #tpu.memory_space<hbm>>)
      tpu.yield
    }) : () -> ()
    return
  }
}

module attributes {stable_mosaic.version = 14 : i64} {
  func.func @_scale_fn(%arg0: i32, %arg1: memref<1024x2xf32, #tpu.memory_space<vmem>>, %arg2: memref<1024x128xf32, #tpu.memory_space<vmem>>, %arg3: memref<128x128xf32, #tpu.memory_space<vmem>>, %arg4: memref<1024x128xf32, #tpu.memory_space<vmem>>, %arg5: memref<1024x1xf32, #tpu.memory_space<vmem>>) attributes {dimension_semantics = [#tpu.dimension_semantics<arbitrary>], iteration_bounds = array<i64: 10>, scalar_prefetch = 0 : i64, scratch_operands = 0 : i64, tpu.core_type = #tpu.core_type<tc>, window_params = [{transform_indices = @transform_0, window_bounds = array<i64: 1024, 2>}, {transform_indices = @transform_1, window_bounds = array<i64: 1024, 128>}, {pipeline_mode = #tpu.pipeline_mode<synchronous>, transform_indices = @transform_2, window_bounds = array<i64: 128, 128>}, {transform_indices = @transform_3, window_bounds = array<i64: 1024, 128>}, {transform_indices = @transform_4, window_bounds = array<i64: 1024, 1>}]} {
    %get3A = arith.constant 0 : index
    %get3A_0 = arith.constant 0 : index
    %get3A_1 = vector.load %arg1[%get3A, %get3A_0] : memref<1024x2xf32, #tpu.memory_space<vmem>>, vector<1024x2xf32>
    %slice3A = vector.extract_strided_slice %get3A_1 {offsets = [0, 0], sizes = [1024, 1], strides = [1, 1]} : vector<1024x2xf32> to vector<1024x1xf32>
    %slice3A_2 = vector.extract_strided_slice %get3A_1 {offsets = [0, 1], sizes = [1024, 1], strides = [1, 1]} : vector<1024x2xf32> to vector<1024x1xf32>
    %add3A = arith.addf %slice3A, %slice3A_2 : vector<1024x1xf32>
    %add3A_3 = arith.constant 1.000000e+00 : f32
    %add3A_4 = vector.broadcast %add3A_3 : f32 to vector<1024x1xf32>
    %add3A_5 = arith.addf %add3A, %add3A_4 : vector<1024x1xf32>
    %rsqrt3A = math.rsqrt %add3A_5 : vector<1024x1xf32>
    %get3A_6 = arith.constant 0 : index
    %get3A_7 = arith.constant 0 : index
    %get3A_8 = vector.load %arg2[%get3A_6, %get3A_7] : memref<1024x128xf32, #tpu.memory_space<vmem>>, vector<1024x128xf32>
    %get3A_9 = arith.constant 0 : index
    %get3A_10 = arith.constant 0 : index
    %get3A_11 = vector.load %arg3[%get3A_9, %get3A_10] : memref<128x128xf32, #tpu.memory_space<vmem>>, vector<128x128xf32>
    %dot_general3A = arith.constant dense<0.000000e+00> : vector<1024x128xf32>
    %dot_general3A_12 = tpu.matmul %get3A_8, %get3A_11, %dot_general3A {dimension_numbers = #tpu.dot_dimension_numbers<[1], [0], [0], [1], [0, 0, 1, 1], [], []>, transpose_lhs_hint = false} : vector<1024x128xf32>, vector<128x128xf32>, vector<1024x128xf32> -> vector<1024x128xf32>
    %mul3A = vector.broadcast %rsqrt3A : vector<1024x1xf32> to vector<1024x128xf32>
    %mul3A_13 = arith.mulf %dot_general3A_12, %mul3A : vector<1024x128xf32>
    %swap3A = arith.constant 0 : index
    %swap3A_14 = arith.constant 0 : index
    %swap3A_15 = vector.load %arg4[%swap3A, %swap3A_14] : memref<1024x128xf32, #tpu.memory_space<vmem>>, vector<1024x128xf32>
    tpu.vector_store %arg4[%swap3A, %swap3A_14], %mul3A_13 {strides = array<i32>} : memref<1024x128xf32, #tpu.memory_space<vmem>>, vector<1024x128xf32>,
    %swap3A_16 = arith.constant 0 : index
    %swap3A_17 = arith.constant 0 : index
    %swap3A_18 = vector.load %arg5[%swap3A_16, %swap3A_17] : memref<1024x1xf32, #tpu.memory_space<vmem>>, vector<1024x1xf32>
    tpu.vector_store %arg5[%swap3A_16, %swap3A_17], %rsqrt3A {strides = array<i32>} : memref<1024x1xf32, #tpu.memory_space<vmem>>, vector<1024x1xf32>,
    return
  }
  func.func @transform_0(%arg0: i32) -> (i32, i32) {
    %c0_i32 = arith.constant 0 : i32
    %c0_i32_0 = arith.constant 0 : i32
    return %arg0, %c0_i32 : i32, i32
  }
  func.func @transform_1(%arg0: i32) -> (i32, i32) {
    %c0_i32 = arith.constant 0 : i32
    %c0_i32_0 = arith.constant 0 : i32
    return %arg0, %c0_i32 : i32, i32
  }
  func.func @transform_2(%arg0: i32) -> (i32, i32) {
    %c0_i32 = arith.constant 0 : i32
    %c0_i32_0 = arith.constant 0 : i32
    %c0_i32_1 = arith.constant 0 : i32
    return %c0_i32, %c0_i32_0 : i32, i32
  }
  func.func @transform_3(%arg0: i32) -> (i32, i32) {
    %c0_i32 = arith.constant 0 : i32
    %c0_i32_0 = arith.constant 0 : i32
    return %arg0, %c0_i32 : i32, i32
  }
  func.func @transform_4(%arg0: i32) -> (i32, i32) {
    %c0_i32 = arith.constant 0 : i32
    %c0_i32_0 = arith.constant 0 : i32
    return %arg0, %c0_i32 : i32, i32
  }
}

module attributes {stable_mosaic.version = 14 : i64} {
  func.func @_layer_fn(%arg0: i32, %arg1: memref<2x1024x128xf32, #tpu.memory_space<vmem>>, %arg2: memref<1024x128xf32, #tpu.memory_space<vmem>>, %arg3: memref<1024x1xf32, #tpu.memory_space<vmem>>, %arg4: memref<1x128xf32, #tpu.memory_space<vmem>>, %arg5: memref<128x128xf32, #tpu.memory_space<vmem>>, %arg6: memref<1024x128xf32, #tpu.memory_space<vmem>>) attributes {dimension_semantics = [#tpu.dimension_semantics<arbitrary>], iteration_bounds = array<i64: 10>, scalar_prefetch = 0 : i64, scratch_operands = 0 : i64, tpu.core_type = #tpu.core_type<tc>, window_params = [{transform_indices = @transform_0, window_bounds = array<i64: 2, 1024, 128>}, {transform_indices = @transform_1, window_bounds = array<i64: 1024, 128>}, {transform_indices = @transform_2, window_bounds = array<i64: 1024, 1>}, {pipeline_mode = #tpu.pipeline_mode<synchronous>, transform_indices = @transform_3, window_bounds = array<i64: 1, 128>}, {pipeline_mode = #tpu.pipeline_mode<synchronous>, transform_indices = @transform_4, window_bounds = array<i64: 128, 128>}, {transform_indices = @transform_5, window_bounds = array<i64: 1024, 128>}]} {
    %get3A = arith.constant 0 : index
    %get3A_0 = arith.constant 0 : index
    %get3A_1 = vector.load %arg3[%get3A, %get3A_0] : memref<1024x1xf32, #tpu.memory_space<vmem>>, vector<1024x1xf32>
    %get3A_2 = arith.constant 0 : index
    %get3A_3 = arith.constant 0 : index
    %get3A_4 = arith.constant 0 : index
    %get3A_5 = vector.load %arg1[%get3A_2, %get3A_3, %get3A_4] : memref<2x1024x128xf32, #tpu.memory_space<vmem>>, vector<1x1024x128xf32>
    %get3A_6 = vector.shape_cast %get3A_5 : vector<1x1024x128xf32> to vector<1024x128xf32>
    %get3A_7 = arith.constant 1 : index
    %get3A_8 = arith.constant 0 : index
    %get3A_9 = arith.constant 0 : index
    %get3A_10 = vector.load %arg1[%get3A_7, %get3A_8, %get3A_9] : memref<2x1024x128xf32, #tpu.memory_space<vmem>>, vector<1x1024x128xf32>
    %get3A_11 = vector.shape_cast %get3A_10 : vector<1x1024x128xf32> to vector<1024x128xf32>
    %add3A = arith.addf %get3A_6, %get3A_11 : vector<1024x128xf32>
    %get3A_12 = arith.constant 0 : index
    %get3A_13 = arith.constant 0 : index
    %get3A_14 = vector.load %arg2[%get3A_12, %get3A_13] : memref<1024x128xf32, #tpu.memory_space<vmem>>, vector<1024x128xf32>
    %add3A_15 = arith.addf %add3A, %get3A_14 : vector<1024x128xf32>
    %mul3A = vector.broadcast %get3A_1 : vector<1024x1xf32> to vector<1024x128xf32>
    %mul3A_16 = arith.mulf %add3A_15, %mul3A : vector<1024x128xf32>
    %get3A_17 = arith.constant 0 : index
    %get3A_18 = arith.constant 0 : index
    %get3A_19 = vector.load %arg4[%get3A_17, %get3A_18] : memref<1x128xf32, #tpu.memory_space<vmem>>, vector<1x128xf32>
    %add3A_20 = vector.broadcast %get3A_19 : vector<1x128xf32> to vector<1024x128xf32>
    %add3A_21 = arith.addf %mul3A_16, %add3A_20 : vector<1024x128xf32>
    %ge3A = arith.constant 0.000000e+00 : f32
    %ge3A_22 = vector.broadcast %ge3A : f32 to vector<1024x128xf32>
    %ge3A_23 = arith.cmpf oge, %add3A_21, %ge3A_22 : vector<1024x128xf32>
    %mul3A_24 = arith.constant 0.229166672 : f32
    %mul3A_25 = vector.broadcast %mul3A_24 : f32 to vector<1024x128xf32>
    %mul3A_26 = arith.mulf %add3A_21, %mul3A_25 : vector<1024x128xf32>
    %select_n3A = arith.select %ge3A_23, %add3A_21, %mul3A_26 : vector<1024x128xi1>, vector<1024x128xf32>
    %get3A_27 = arith.constant 0 : index
    %get3A_28 = arith.constant 0 : index
    %get3A_29 = vector.load %arg5[%get3A_27, %get3A_28] : memref<128x128xf32, #tpu.memory_space<vmem>>, vector<128x128xf32>
    %dot_general3A = arith.constant dense<0.000000e+00> : vector<1024x128xf32>
    %dot_general3A_30 = tpu.matmul %select_n3A, %get3A_29, %dot_general3A {dimension_numbers = #tpu.dot_dimension_numbers<[1], [0], [0], [1], [0, 0, 1, 1], [], []>, transpose_lhs_hint = false} : vector<1024x128xf32>, vector<128x128xf32>, vector<1024x128xf32> -> vector<1024x128xf32>
    %mul3A_31 = vector.broadcast %get3A_1 : vector<1024x1xf32> to vector<1024x128xf32>
    %mul3A_32 = arith.mulf %dot_general3A_30, %mul3A_31 : vector<1024x128xf32>
    %swap3A = arith.constant 0 : index
    %swap3A_33 = arith.constant 0 : index
    %swap3A_34 = vector.load %arg6[%swap3A, %swap3A_33] : memref<1024x128xf32, #tpu.memory_space<vmem>>, vector<1024x128xf32>
    tpu.vector_store %arg6[%swap3A, %swap3A_33], %mul3A_32 {strides = array<i32>} : memref<1024x128xf32, #tpu.memory_space<vmem>>, vector<1024x128xf32>,
    return
  }
  func.func @transform_0(%arg0: i32) -> (i32, i32, i32) {
    %c0_i32 = arith.constant 0 : i32
    %c0_i32_0 = arith.constant 0 : i32
    %c0_i32_1 = arith.constant 0 : i32
    return %c0_i32, %arg0, %c0_i32_0 : i32, i32, i32
  }
  func.func @transform_1(%arg0: i32) -> (i32, i32) {
    %c0_i32 = arith.constant 0 : i32
    %c0_i32_0 = arith.constant 0 : i32
    return %arg0, %c0_i32 : i32, i32
  }
  func.func @transform_2(%arg0: i32) -> (i32, i32) {
    %c0_i32 = arith.constant 0 : i32
    %c0_i32_0 = arith.constant 0 : i32
    return %arg0, %c0_i32 : i32, i32
  }
  func.func @transform_3(%arg0: i32) -> (i32, i32) {
    %c0_i32 = arith.constant 0 : i32
    %c0_i32_0 = arith.constant 0 : i32
    %c0_i32_1 = arith.constant 0 : i32
    return %c0_i32, %c0_i32_0 : i32, i32
  }
  func.func @transform_4(%arg0: i32) -> (i32, i32) {
    %c0_i32 = arith.constant 0 : i32
    %c0_i32_0 = arith.constant 0 : i32
    %c0_i32_1 = arith.constant 0 : i32
    return %c0_i32, %c0_i32_0 : i32, i32
  }
  func.func @transform_5(%arg0: i32) -> (i32, i32) {
    %c0_i32 = arith.constant 0 : i32
    %c0_i32_0 = arith.constant 0 : i32
    return %arg0, %c0_i32 : i32, i32
  }
}

module attributes {stable_mosaic.version = 14 : i64} {
  func.func @_final_fn(%arg0: i32, %arg1: memref<2x1024x128xf32, #tpu.memory_space<vmem>>, %arg2: memref<1024x128xf32, #tpu.memory_space<vmem>>, %arg3: memref<1024x1xf32, #tpu.memory_space<vmem>>, %arg4: memref<1x128xf32, #tpu.memory_space<vmem>>, %arg5: memref<128x128xf32, #tpu.memory_space<vmem>>, %arg6: memref<1x128xf32, #tpu.memory_space<vmem>>, %arg7: memref<1024x128xf32, #tpu.memory_space<vmem>>) attributes {dimension_semantics = [#tpu.dimension_semantics<arbitrary>], iteration_bounds = array<i64: 10>, scalar_prefetch = 0 : i64, scratch_operands = 0 : i64, tpu.core_type = #tpu.core_type<tc>, window_params = [{transform_indices = @transform_0, window_bounds = array<i64: 2, 1024, 128>}, {transform_indices = @transform_1, window_bounds = array<i64: 1024, 128>}, {transform_indices = @transform_2, window_bounds = array<i64: 1024, 1>}, {pipeline_mode = #tpu.pipeline_mode<synchronous>, transform_indices = @transform_3, window_bounds = array<i64: 1, 128>}, {pipeline_mode = #tpu.pipeline_mode<synchronous>, transform_indices = @transform_4, window_bounds = array<i64: 128, 128>}, {pipeline_mode = #tpu.pipeline_mode<synchronous>, transform_indices = @transform_5, window_bounds = array<i64: 1, 128>}, {transform_indices = @transform_6, window_bounds = array<i64: 1024, 128>}]} {
    %get3A = arith.constant 0 : index
    %get3A_0 = arith.constant 0 : index
    %get3A_1 = arith.constant 0 : index
    %get3A_2 = vector.load %arg1[%get3A, %get3A_0, %get3A_1] : memref<2x1024x128xf32, #tpu.memory_space<vmem>>, vector<1x1024x128xf32>
    %get3A_3 = vector.shape_cast %get3A_2 : vector<1x1024x128xf32> to vector<1024x128xf32>
    %get3A_4 = arith.constant 1 : index
    %get3A_5 = arith.constant 0 : index
    %get3A_6 = arith.constant 0 : index
    %get3A_7 = vector.load %arg1[%get3A_4, %get3A_5, %get3A_6] : memref<2x1024x128xf32, #tpu.memory_space<vmem>>, vector<1x1024x128xf32>
    %get3A_8 = vector.shape_cast %get3A_7 : vector<1x1024x128xf32> to vector<1024x128xf32>
    %add3A = arith.addf %get3A_3, %get3A_8 : vector<1024x128xf32>
    %get3A_9 = arith.constant 0 : index
    %get3A_10 = arith.constant 0 : index
    %get3A_11 = vector.load %arg2[%get3A_9, %get3A_10] : memref<1024x128xf32, #tpu.memory_space<vmem>>, vector<1024x128xf32>
    %add3A_12 = arith.addf %add3A, %get3A_11 : vector<1024x128xf32>
    %get3A_13 = arith.constant 0 : index
    %get3A_14 = arith.constant 0 : index
    %get3A_15 = vector.load %arg3[%get3A_13, %get3A_14] : memref<1024x1xf32, #tpu.memory_space<vmem>>, vector<1024x1xf32>
    %mul3A = vector.broadcast %get3A_15 : vector<1024x1xf32> to vector<1024x128xf32>
    %mul3A_16 = arith.mulf %add3A_12, %mul3A : vector<1024x128xf32>
    %get3A_17 = arith.constant 0 : index
    %get3A_18 = arith.constant 0 : index
    %get3A_19 = vector.load %arg4[%get3A_17, %get3A_18] : memref<1x128xf32, #tpu.memory_space<vmem>>, vector<1x128xf32>
    %add3A_20 = vector.broadcast %get3A_19 : vector<1x128xf32> to vector<1024x128xf32>
    %add3A_21 = arith.addf %mul3A_16, %add3A_20 : vector<1024x128xf32>
    %ge3A = arith.constant 0.000000e+00 : f32
    %ge3A_22 = vector.broadcast %ge3A : f32 to vector<1024x128xf32>
    %ge3A_23 = arith.cmpf oge, %add3A_21, %ge3A_22 : vector<1024x128xf32>
    %mul3A_24 = arith.constant 0.229166672 : f32
    %mul3A_25 = vector.broadcast %mul3A_24 : f32 to vector<1024x128xf32>
    %mul3A_26 = arith.mulf %add3A_21, %mul3A_25 : vector<1024x128xf32>
    %select_n3A = arith.select %ge3A_23, %add3A_21, %mul3A_26 : vector<1024x128xi1>, vector<1024x128xf32>
    %get3A_27 = arith.constant 0 : index
    %get3A_28 = arith.constant 0 : index
    %get3A_29 = vector.load %arg5[%get3A_27, %get3A_28] : memref<128x128xf32, #tpu.memory_space<vmem>>, vector<128x128xf32>
    %dot_general3A = arith.constant dense<0.000000e+00> : vector<1024x128xf32>
    %dot_general3A_30 = tpu.matmul %select_n3A, %get3A_29, %dot_general3A {dimension_numbers = #tpu.dot_dimension_numbers<[1], [0], [0], [1], [0, 0, 1, 1], [], []>, transpose_lhs_hint = false} : vector<1024x128xf32>, vector<128x128xf32>, vector<1024x128xf32> -> vector<1024x128xf32>
    %get3A_31 = arith.constant 0 : index
    %get3A_32 = arith.constant 0 : index
    %get3A_33 = vector.load %arg6[%get3A_31, %get3A_32] : memref<1x128xf32, #tpu.memory_space<vmem>>, vector<1x128xf32>
    %add3A_34 = vector.broadcast %get3A_33 : vector<1x128xf32> to vector<1024x128xf32>
    %add3A_35 = arith.addf %dot_general3A_30, %add3A_34 : vector<1024x128xf32>
    %swap3A = arith.constant 0 : index
    %swap3A_36 = arith.constant 0 : index
    %swap3A_37 = vector.load %arg7[%swap3A, %swap3A_36] : memref<1024x128xf32, #tpu.memory_space<vmem>>, vector<1024x128xf32>
    tpu.vector_store %arg7[%swap3A, %swap3A_36], %add3A_35 {strides = array<i32>} : memref<1024x128xf32, #tpu.memory_space<vmem>>, vector<1024x128xf32>,
    return
  }
  func.func @transform_0(%arg0: i32) -> (i32, i32, i32) {
    %c0_i32 = arith.constant 0 : i32
    %c0_i32_0 = arith.constant 0 : i32
    %c0_i32_1 = arith.constant 0 : i32
    return %c0_i32, %arg0, %c0_i32_0 : i32, i32, i32
  }
  func.func @transform_1(%arg0: i32) -> (i32, i32) {
    %c0_i32 = arith.constant 0 : i32
    %c0_i32_0 = arith.constant 0 : i32
    return %arg0, %c0_i32 : i32, i32
  }
  func.func @transform_2(%arg0: i32) -> (i32, i32) {
    %c0_i32 = arith.constant 0 : i32
    %c0_i32_0 = arith.constant 0 : i32
    return %arg0, %c0_i32 : i32, i32
  }
  func.func @transform_3(%arg0: i32) -> (i32, i32) {
    %c0_i32 = arith.constant 0 : i32
    %c0_i32_0 = arith.constant 0 : i32
    %c0_i32_1 = arith.constant 0 : i32
    return %c0_i32, %c0_i32_0 : i32, i32
  }
  func.func @transform_4(%arg0: i32) -> (i32, i32) {
    %c0_i32 = arith.constant 0 : i32
    %c0_i32_0 = arith.constant 0 : i32
    %c0_i32_1 = arith.constant 0 : i32
    return %c0_i32, %c0_i32_0 : i32, i32
  }
  func.func @transform_5(%arg0: i32) -> (i32, i32) {
    %c0_i32 = arith.constant 0 : i32
    %c0_i32_0 = arith.constant 0 : i32
    %c0_i32_1 = arith.constant 0 : i32
    return %c0_i32, %c0_i32_0 : i32, i32
  }
  func.func @transform_6(%arg0: i32) -> (i32, i32) {
    %c0_i32 = arith.constant 0 : i32
    %c0_i32_0 = arith.constant 0 : i32
    return %arg0, %c0_i32 : i32, i32
  }
}

</mosaic_0001>

<sc_bundles>
// kernel: kernel.11.cloned.1.call-start
scs
__scs_entry_jumppad:
0x0: {  	(pc) =	sbr.rel $0x88, $3  }
0x1: {  	(tag) =	ssettag $0x0;
	lr =	simm.s32 $0x1  }
0x2: {  	[smem:$0x3F99] =	sst lr;
	_ =	strace $0xD0000000  }
0x3: {  	_ = 	snop  }
0x4: {  	_ = 	snop  }
0x5: {  	_ = 	snop  }
0x6: {  	_ = 	snop  }
0x7: {  	_ = 	snop  }
__scs_overlays_trampoline_lowered:
0x8: {  	[smem:$0x3FA8] =	sst s0  }
0x9: {  	[smem:$0x3FA9] =	sst s1  }
0xa: {  	[smem:$0x3FAA] =	sst s2  }
0xb: {  	[smem:$0x3FAB] =	sst s3  }
0xc: {  	[smem:$0x3FAC] =	sst s4  }
0xd: {  	[smem:$0x3FAD] =	sst s5  }
0xe: {  	[smem:$0x3FAE] =	sst s6  }
0xf: {  	[smem:$0x3FAF] =	sst s7  }
0x10: {  	[smem:$0x3FB0] =	sst s8  }
0x11: {  	[smem:$0x3FB1] =	sst s9;
	s0 =	simm.s32 @!p0 $0x0  }
0x12: {  	s1 =	sld [smem:$0x3F97];
	s0 =	simm.s32 @p0 $0x1  }
0x13: {  	[smem:$0x3FB2] =	sst s0;
	s0 =	simm.s32 @!p1 $0x0  }
0x14: {  	s2 =	sld [smem:$0x3F96];
	s0 =	simm.s32 @p1 $0x1  }
0x15: {  	[smem:$0x3FB3] =	sst s0;
	s0 =	simm.s32 @!p2 $0x0  }
0x16: {  	s3 =	sld [smem:$0x3FDB];
	s0 =	simm.s32 @p2 $0x1  }
0x17: {  	s4 =	simm.s32 $0x1BF5;
	[smem:$0x3FB5] =	sst s0  }
0x18: {  	s0 =	sld [smem:$0x3F98];
	_ =	swait.ge [sflag:s4], $0x0  }
0x19: {  	s7 =	sld [smem:$0x3F99]  }
0x1a: {  	s8 =	sadd.s32 $0xFFFFE003, lr  }
0x1b: {  	s9 =	sadd.s32 $0xFFFFFEF7, lr;
	s5 =	simm.s32 $0xFFFFFFFF;
	p2 =	slt.u32 s8, $0xFFFFF086  }
0x1c: {  	p1 =	slt.u32 s9, $0xF7A;
	s5 =	simm.s32 @!p2 $0x0  }
0x1d: {  	s5 =	simm.s32 @p1 $0x1;
	p0 =	seq.s32 s7, s2  }
0x1e: {  	s7 =	smul.u32 @!p0 $0xF7A, s2;
	p2 =	seq.s32 @!p0 s5, $0x0  }
0x1f: {  	s9 =	smul.u32 $0xF7A, s1;
	s8 =	simm.s32 @!p0 $0x1BF5;
	p2 =	por !p2, p0  }
0x20: {  	[sflag:s8] =	ssyncset.s32 @!p0 $0xFFFFF086;
	s6 =	sadd.s32 @!p0 s3, s7;
	s7 =	simm.s32 @!p0 $0x108  }
0x21: {  	s3 =	sadd.s32 s3, s9;
	s6 =	sadd.s32 @!p0 $0x88, s6;
	s7 =	simm.s32 @p2 $0x1082  }
0x22: {  	[simem:s7], [sflag:s8] =	dma.local @!p0 [hbm:s6], $0xF7A  }
0x23: {  	s9 =	sor.u32 $0xD0000000, s2;
	s6 =	simm.s32 $0x108;
	_ =	swait.ge @!p0 [sflag:s8], $0x0  }
0x24: {  	s3 =	sadd.s32 $0x88, s3;
	s6 =	simm.s32 @!p1 $0x1082;
	[sflag:s4] =	ssyncset.s32 $0xFFFFF086  }
0x25: {  	[simem:s6], [sflag:s4] =	dma.local [hbm:s3], $0xF7A  }
0x26: {  	[smem:$0x3F99] =	sst s1;
	(tag) =	ssettag s2;
	_ =	strace s9  }
0x27: {  	s1 =	sld [smem:$0x3FA9]  }
0x28: {  	s2 =	sld [smem:$0x3FAA]  }
0x29: {  	s4 =	sld [smem:$0x3FAC]  }
0x2a: {  	p0 =	seq.s32 s5, $0x0;
	s5 =	sld [smem:$0x3FAD]  }
0x2b: {  	s6 =	sld [smem:$0x3FAE]  }
0x2c: {  	s7 =	sld [smem:$0x3FAF]  }
0x2d: {  	s3 =	simm.s32 $0x108;
	s8 =	sld [smem:$0x3FB0]  }
0x2e: {  	s3 =	simm.s32 @!p0 $0x1082;
	s9 =	sld [smem:$0x3FB1]  }
0x2f: {  	lr =	sadd.s32 s0, s3;
	s0 =	sld [smem:$0x3FA8]  }
0x30: {  	s3 =	sld [smem:$0x3FAB]  }
0x31: {  	[smem:$0x3FB4] =	sst s10  }
0x32: {  	s10 =	sld [smem:$0x3FB2];
	_ =	sdelay $0x3  }
0x33: {  	p0 =	seq.s32 s10, $0x1;
	s10 =	sld [smem:$0x3FB4];
	_ =	sdelay $0x3  }
0x34: {  	[smem:$0x3FB4] =	sst s10  }
0x35: {  	s10 =	sld [smem:$0x3FB3];
	_ =	sdelay $0x3  }
0x36: {  	p1 =	seq.s32 s10, $0x1;
	s10 =	sld [smem:$0x3FB4];
	_ =	sdelay $0x3  }
0x37: {  	[smem:$0x3FB4] =	sst s10  }
0x38: {  	s10 =	sld [smem:$0x3FB5]  }
0x39: {  	_ = 	snop;
	(pc) =	sbr.ind lr, $3  }
0x3a: {  	_ = 	snop  }
0x3b: {  	_ = 	snop  }
0x3c: {  	p2 =	seq.s32 s10, $0x1;
	s10 =	sld [smem:$0x3FB4]  }
0x3d: {  	_ =	shalt  }
0x3e: {  	_ =	shalt  }
0x3f: {  	_ =	shalt  }
0x40: {  	_ =	shalt  }
0x41: {  	_ =	shalt  }
0x42: {  	_ =	shalt  }
0x43: {  	_ =	shalt  }
0x44: {  	_ =	shalt  }
0x45: {  	_ =	shalt  }
0x46: {  	_ =	shalt  }
0x47: {  	_ =	shalt  }
0x48: {  	_ =	shalt  }
0x49: {  	_ =	shalt  }
0x4a: {  	_ =	shalt  }
0x4b: {  	_ =	shalt  }
0x4c: {  	_ =	shalt  }
0x4d: {  	_ =	shalt  }
0x4e: {  	_ =	shalt  }
0x4f: {  	_ =	shalt  }
0x50: {  	_ =	shalt  }
0x51: {  	_ =	shalt  }
0x52: {  	_ =	shalt  }
0x53: {  	_ =	shalt  }
0x54: {  	_ =	shalt  }
0x55: {  	_ =	shalt  }
0x56: {  	_ =	shalt  }
0x57: {  	_ =	shalt  }
0x58: {  	_ =	shalt  }
0x59: {  	_ =	shalt  }
0x5a: {  	_ =	shalt  }
0x5b: {  	_ =	shalt  }
0x5c: {  	_ =	shalt  }
0x5d: {  	_ =	shalt  }
0x5e: {  	_ =	shalt  }
0x5f: {  	_ =	shalt  }
0x60: {  	_ =	shalt  }
0x61: {  	_ =	shalt  }
0x62: {  	_ =	shalt  }
0x63: {  	_ =	shalt  }
0x64: {  	_ =	shalt  }
0x65: {  	_ =	shalt  }
0x66: {  	_ =	shalt  }
0x67: {  	_ =	shalt  }
0x68: {  	_ =	shalt  }
0x69: {  	_ =	shalt  }
0x6a: {  	_ =	shalt  }
0x6b: {  	_ =	shalt  }
0x6c: {  	_ =	shalt  }
0x6d: {  	_ =	shalt  }
0x6e: {  	_ =	shalt  }
0x6f: {  	_ =	shalt  }
0x70: {  	_ =	shalt  }
0x71: {  	_ =	shalt  }
0x72: {  	_ =	shalt  }
0x73: {  	_ =	shalt  }
0x74: {  	_ =	shalt  }
0x75: {  	_ =	shalt  }
0x76: {  	_ =	shalt  }
0x77: {  	_ =	shalt  }
0x78: {  	_ =	shalt  }
0x79: {  	_ =	shalt  }
0x7a: {  	_ =	shalt  }
0x7b: {  	_ =	shalt  }
0x7c: {  	_ =	shalt  }
0x7d: {  	_ =	shalt  }
0x7e: {  	_ =	shalt  }
0x7f: {  	_ =	shalt  }
0x80: {  	_ =	shalt  }
0x81: {  	_ =	shalt  }
0x82: {  	_ =	shalt  }
0x83: {  	_ =	shalt  }
0x84: {  	_ =	shalt  }
0x85: {  	_ =	shalt  }
0x86: {  	_ =	shalt  }
0x87: {  	_ =	shalt  }
.Lfunc_end0:
.L_simem_size_0:
called_computation.1_lowered:
.L_overlay_start_0:
0x88: {  	s2 =	sld [smem:$0x3FD9]  }
0x89: {  	s3 =	sld [smem:$0x3FFE];
	_ =	sdelay $0x1  }
0x8a: {  	s1 =	srdreg.scid  }
0x8b: {  	s0 =	sand.u32 $0x1, s1  }
0x8c: {  	s17 =	sshll.u32 s0, $0xA;
	s2 =	sadd.s32 s3, s2  }
0x8d: {  	s2 =	sadd.s32 s2, s17  }
0x8e: {  	[smem:$0x3FC0] =	sst s2  }
0x8f: {  	_ = 	snop  }
0x90: {  	s2 =	sld [smem:$0x3FD0];
	(tm) =	ssettm $0x1  }
0x91: {  	s18 =	sld [smem:$0x3FFB];
	_ =	sdelay $0x3  }
0x92: {  	_ =	strace s18  }
0x93: {  	s3 =	sld [smem:$0x3FFC];
	_ =	sdelay $0x3  }
0x94: {  	_ =	strace s3  }
0x95: {  	s3 =	sld [smem:$0x3FFD];
	_ =	sdelay $0x3  }
0x96: {  	_ =	strace s3  }
0x97: {  	_ =	strace $0x8FFFFFFF  }
0x98: {  	s19 =	sld [smem:$0x3FDB];
	_ =	sdelay $0x1  }
0x99: {  	s4 =	simm.s32 $_scs_section_size  }
0x9a: {  	s5 =	simm.s32 $_size__tile_overlayer_lowered;
	s6 =	simm.s32 $_tile_overlayer_lowered  }
0x9b: {  	s22 =	simm.s32 $0x1BFF;
	s21 =	sshll.u32 s6, $0x1;
	s3 =	sadd.s32 s4, s19  }
0x9c: {  	s7 =	simm.s32 $0x0;
	s20 =	sshll.u32 s5, $0x1;
	s5 =	sadd.s32 s21, s3  }
0x9d: {  	[timem:s7], [sflag:s22] =	dma.local [hbm:s5], s20  }
0x9e: {  	_ =	swait.ge [sflag:s22], s20  }
0x9f: {  	s4 =	ssub.s32 $0x0, s20;
	[sflag:s22] =	ssyncset.done $0x0  }
0xa0: {  	[sflag:s22] =	ssyncadd.s32 s4;
	_ =	sdelay $0x1  }
0xa1: {  	s23 =	simm.s32 $0x1B8B  }
0xa2: {  	_ =	swait.ge [sflag:s23], $0x1  }
0xa3: {  	[sflag:s23] =	ssyncset.done $0x0  }
0xa4: {  	s25 =	simm.s32 $0x1B8E;
	s24 =	sld [smem:$0x3FFE];
	[sflag:s23] =	ssyncadd.s32 $0xFFFFFFFF  }
0xa5: {  	s26 =	simm.s32 $execute0_lowered;
	[smem:$0x3FD2] =	sst s25  }
0xa6: {  	s5 =	sshll.u32 s26, $0x1;
	_ =	strace $0x80000049;
	[dreg:$0x1] =	wrdreg $0xFFFFFFFF  }
0xa7: {  	s28 =	simm.s32 $_size_execute0_lowered;
	s3 =	sadd.s32 s3, s5;
	[dreg:$0x0] =	wrdreg $0x0  }
0xa8: {  	s5 =	sshll.u32 s28, $0x1;
	[dreg:$0x2] =	wrdreg s3  }
0xa9: {  	[dreg:$0x3] =	wrdreg s5  }
0xaa: {  	[dreg:$0x4] =	wrdreg $0xC0  }
0xab: {  	_ =	task [dreg:s7], $0x5FFFF  }
0xac: {  	[dreg:$0x1] =	wrdreg $0xFFFFFFFF  }
0xad: {  	[dreg:$0x0] =	wrdreg $0x60  }
0xae: {  	[dreg:$0x2] =	wrdreg s2  }
0xaf: {  	[dreg:$0x3] =	wrdreg s24  }
0xb0: {  	[dreg:$0x4] =	wrdreg $0x90000  }
0xb1: {  	[dreg:$0x5] =	wrdreg $0x9  }
0xb2: {  	_ =	task.clear_ibuf [dreg:s7], $0x6FFFF;
	_ =	strace $0x90000049  }
0xb3: {  	s29 =	simm.s32 $0x9;
	_ =	strace $0x8000004B  }
0xb4: {  	_ =	swait.ge [sflag:s29], $0x1  }
0xb5: {  	[sflag:s29] =	ssyncadd.s32 $0xFFFFFFFF  }
0xb6: {  	_ =	strace $0x9000004B  }
0xb7: {  	_ =	sfence  }
0xb8: {  	s30 =	sld [smem:$0x0];
	_ =	sdelay $0x2  }
0xb9: {  	s31 =	sshll.u32 s1, $0xD;
	s1 =	sshrl.u32 s1, $0x2  }
0xba: {  	s3 =	sand.u32 $0x4000, s31;
	s1 =	sadd.s32 s1, s30  }
0xbb: {  	s0 =	sor.u32 s3, s0;
	s1 =	sshll.u32 s1, $0x11  }
0xbc: {  	s0 =	sor.u32 s1, s0  }
0xbd: {  	s0 =	sadd.s32 $0x8F2B, s0  }
0xbe: {  	[sflag:s0] =	ssyncadd.remote.s32 $0x1  }
0xbf: {  	_ =	sfence.sel $0xFFFF  }
0xc0: {  	[dreg:$0x0] =	wrdreg $0xFFFFFFFF;
	(pc) =	sbr.abs _section_cstart, $3  }
0xc1: {  	[dreg:$0x1] =	wrdreg $0xFFFFFFFF  }
0xc2: {  	_ =	task.clear_ibuf [dreg:s7], $0x2FFFF;
	_ =	strace $0x9FFFFFFF  }
0xc3: {  	(tm) =	ssettm $0x7FFFFFFF  }
tec
execute0_lowered:
.L_overlay_start_1:
0x0: {  	(tag) =	ssettag $0x1  }
0x1: {  	s6 =	rddreg [dreg:$0x0]  }
0x2: {  	s7 =	rddreg [dreg:$0x1]  }
0x3: {  	s0 =	srdreg.scid;
	s2 =	rddreg [dreg:$0x2];
	s3 =	simm.s32 $0x0  }
0x4: {  	s14 =	simm.s32 $0x5000;
	s15 =	simm.s32 $0x1;
	s5 =	sand.u32 $0x1, s0  }
0x5: {  	s16 =	simm.s32 $0x2800;
	s0 =	stileid.u32;
	s9 =	smul.u32 $0x140000, s5  }
0x6: {  	s17 =	simm.s32 $0x80;
	[smem:$0x7FF] =	sst s3;
	s10 =	smul.u32 $0x14000, s0  }
0x7: {  	s4 =	sadd.s32 $0xCA00, s7;
	s1 =	sshll.u32 s5, $0x4;
	s12 =	smul.u32 $0x50000, s0  }
0x8: {  	s5 =	ssub.s32 $0x2, s5;
	s18 =	sshll.u32 s0, $0x6;
	s1 =	sor.u32 s0, s1  }
0x9: {  	s31 =	sshrl.u32 s5, $0x1;
	s18 =	sor.u32 $0x1C01, s18;
	s8 =	smul.u32 $0x500, s1  }
0xa: {  	s1 =	rddreg [dreg:$0x3];
	_ =	strace $0x8000004A;
	s9 =	sadd.s32 s10, s9  }
0xb: {  	s12 =	sshrl.u32 s12, $0x2;
	s10 =	ssub.s32 s5, s31;
	s9 =	sshrl.u32 s9, $0x3  }
0xc: {  	s5 =	sadd.s32 s12, s2;
	s11 =	sadd.s32 s8, s7;
	s9 =	sadd.s32 s9, s7  }
0xd: {  	s6 =	sadd.s32 s6, s8;
	s12 =	sadd.s32 $0xC000, s5;
	s13 =	sadd.s32 $0x10000, s5  }
0xe: {  	s19 =	sshrl.u32 s5, $0x3;
	s7 =	sadd.s32 $0x2A00, s11;
	s8 =	sadd.s32 $0x34A00, s9  }
0xf: {  	v0 =	vimm.f32 $0.0e+00;
	s9 =	smax.u32 s10, $0x1;
	s10 =	sadd.s32 $0x4000, s5;
	s11 =	sadd.s32 $0x8000, s5  }
.LBB2_1:
0x10: {  	s20 =	simm.s32 $0x0;
	s21 =	simm.s32 $0x200  }
.LBB2_2:
0x11: {  	p0 =	sne.s32 s21, $0xFE00;
	[tilespmem:s20+$0x5070] =	vst v0  }
0x12: {  	[tilespmem:s20+$0x5000] =	vst v0  }
0x13: {  	[tilespmem:s20+$0x5010] =	vst v0  }
.Ltmp0:
0x14: {  	[tilespmem:s20+$0x5020] =	vst v0;
	(pc) =	sbr.rel @p0 .LBB2_2-.Ltmp0, $4  }
0x15: {  	[tilespmem:s20+$0x5030] =	vst v0  }
0x16: {  	[tilespmem:s20+$0x5040] =	vst v0  }
0x17: {  	[tilespmem:s20+$0x5050] =	vst v0  }
0x18: {  	[tilespmem:s20+$0x5060] =	vst v0;
	s20 =	sshra.s32 s21, $0x2;
	s21 =	sadd.s32 $0x200, s21  }
0x19: {  	[tilespmem:s20+$0x5070] =	vst v0  }
0x1a: {  	[tilespmem:s20+$0x5000] =	vst v0  }
0x1b: {  	[tilespmem:s20+$0x5010] =	vst v0  }
0x1c: {  	[tilespmem:s20+$0x5020] =	vst v0  }
0x1d: {  	[tilespmem:s20+$0x5030] =	vst v0  }
0x1e: {  	[tilespmem:s20+$0x5040] =	vst v0  }
0x1f: {  	[tilespmem:s20+$0x5050] =	vst v0  }
0x20: {  	[tilespmem:s20+$0x5060] =	vst v0  }
0x21: {  	[spmem:s5] =	stream.linear.scatter [tilespmem:s14], [sflag:$0x1], $0x4000, $0x38;
	[tilespmem:$0x1D000] =	vst v63  }
0x22: {  	_ =	swait.ge [sflag:s15], $0x4000  }
0x23: {  	[sflag:s15] =	ssyncset.done $0x0  }
0x24: {  	[sflag:s15] =	ssyncadd.s32 $0xFFFFC000  }
0x25: {  	[spmem:s10] =	stream.linear.scatter [tilespmem:s14], [sflag:$0x1], $0x4000, $0x38;
	[tilespmem:$0x1D000] =	vst v63  }
0x26: {  	_ =	swait.ge [sflag:s15], $0x4000  }
0x27: {  	[sflag:s15] =	ssyncset.done $0x0  }
0x28: {  	[sflag:s15] =	ssyncadd.s32 $0xFFFFC000  }
0x29: {  	[spmem:s11] =	stream.linear.scatter [tilespmem:s14], [sflag:$0x1], $0x4000, $0x38;
	[tilespmem:$0x1D000] =	vst v63  }
0x2a: {  	_ =	swait.ge [sflag:s15], $0x4000  }
0x2b: {  	[sflag:s15] =	ssyncset.done $0x0  }
0x2c: {  	[sflag:s15] =	ssyncadd.s32 $0xFFFFC000  }
0x2d: {  	[spmem:s12] =	stream.linear.scatter [tilespmem:s14], [sflag:$0x1], $0x4000, $0x38;
	[tilespmem:$0x1D000] =	vst v63  }
0x2e: {  	_ =	swait.ge [sflag:s15], $0x4000  }
0x2f: {  	[sflag:s15] =	ssyncset.done $0x0  }
0x30: {  	[sflag:s15] =	ssyncadd.s32 $0xFFFFC000  }
0x31: {  	[spmem:s13] =	stream.linear.scatter [tilespmem:s14], [sflag:$0x1], $0x4000, $0x38;
	[tilespmem:$0x1D000] =	vst v63  }
0x32: {  	_ =	swait.ge [sflag:s15], $0x4000  }
0x33: {  	[sflag:s15] =	ssyncset.done $0x0  }
0x34: {  	s29 =	simm.s32 $0x0;
	[sflag:s15] =	ssyncadd.s32 $0xFFFFC000  }
0x35: {  	[tilespmem:s29], [sflag:$0x1] =	stream.linear.gather [hbm4b:s6+s29], $0x2780, $0x38;
	[tilespmem:$0x1D000] =	vst v63  }
0x36: {  	_ =	swait.ge [sflag:s15], $0x2780  }
0x37: {  	[sflag:s15] =	ssyncset.done $0x0  }
0x38: {  	[sflag:s15] =	ssyncadd.s32 $0xFFFFD880  }
0x39: {  	[tilespmem:s16], [sflag:$0x1] =	stream.linear.gather [hbm4b:s7+s29], $0x2780, $0x38;
	[tilespmem:$0x1D000] =	vst v63  }
0x3a: {  	_ =	swait.ge [sflag:s15], $0x2780  }
0x3b: {  	[sflag:s15] =	ssyncset.done $0x0  }
0x3c: {  	[sflag:s15] =	ssyncadd.s32 $0xFFFFD880  }
0x3d: {  	s30 =	simm.s32 $0x0;
	[bflag:$0x0] =	sbarrier.arrive $0xFFFF  }
0x3e: {  	[tilespmem:s14], [sflag:$0x1] =	stream.indirect.gather [hbm4b:s4+s17], $0x80, s30, s17, $0xb8;
	[tilespmem:$0x1D000] =	vst v63  }
0x3f: {  	_ =	swait.ge [sflag:s15], $0x4000  }
0x40: {  	[sflag:s15] =	ssyncset.done $0x0  }
0x41: {  	s31 =	simm.s32 $0x2800;
	[sflag:s15] =	ssyncadd.s32 $0xFFFFC000  }
0x42: {  	[spmem:s2] =	stream.indirect.scatter.add.f32 [tilespmem:s14], [sflag:$0x1], $0x80, s31, s17, $0xb8;
	[tilespmem:$0x1D000] =	vst v63  }
0x43: {  	_ =	swait.ge [sflag:s15], $0x4000  }
0x44: {  	s20 =	simm.s32 $0x200;
	s21 =	simm.s32 $0x400;
	[sflag:s15] =	ssyncset.done $0x0  }
.LBB2_4:
0x45: {  	s22 =	sshra.s32 s20, $0x2  }
0x46: {  	[sflag:s15] =	ssyncadd.s32 $0xFFFFC000;
	s20 =	smov.u32 s21;
	s23 =	sadd.s32 $0x200, s21  }
0x47: {  	[tilespmem:s14], [sflag:$0x1] =	stream.indirect.gather [hbm4b:s4+s17], $0x80, s22, s17, $0xb8;
	[tilespmem:$0x1D000] =	vst v63  }
0x48: {  	p0 =	sne.s32 s21, $0x9C00;
	_ =	swait.ge [sflag:s15], $0x4000  }
.Ltmp1:
0x49: {  	[sflag:s15] =	ssyncset.done $0x0;
	(pc) =	sbr.rel @p0 .LBB2_4-.Ltmp1, $4  }
0x4a: {  	s21 =	sadd.s32 $0x2800, s22;
	[sflag:s15] =	ssyncadd.s32 $0xFFFFC000  }
0x4b: {  	[spmem:s2] =	stream.indirect.scatter.add.f32 [tilespmem:s14], [sflag:$0x1], $0x80, s21, s17, $0xb8;
	[tilespmem:$0x1D000] =	vst v63  }
0x4c: {  	_ =	swait.ge [sflag:s15], $0x4000  }
0x4d: {  	s21 =	smov.u32 s23;
	[sflag:s15] =	ssyncset.done $0x0  }
0x4e: {  	s20 =	sshra.s32 s20, $0x2;
	[sflag:s15] =	ssyncadd.s32 $0xFFFFC000  }
0x4f: {  	[tilespmem:s14], [sflag:$0x1] =	stream.indirect.gather [hbm4b:s4+s17], $0x80, s20, s17, $0xb8;
	[tilespmem:$0x1D000] =	vst v63  }
0x50: {  	_ =	swait.ge [sflag:s15], $0x4000  }
0x51: {  	[sflag:s15] =	ssyncset.done $0x0  }
0x52: {  	s20 =	sadd.s32 $0x2800, s20;
	[sflag:s15] =	ssyncadd.s32 $0xFFFFC000  }
0x53: {  	[spmem:s2] =	stream.indirect.scatter.add.f32 [tilespmem:s14], [sflag:$0x1], $0x80, s20, s17, $0xb8;
	[tilespmem:$0x1D000] =	vst v63  }
0x54: {  	_ =	swait.ge [sflag:s15], $0x4000  }
0x55: {  	s3 =	sadd.s32 $0x1, s3;
	[sflag:s15] =	ssyncset.done $0x0  }
0x56: {  	p0 =	sne.s32 s3, s9;
	[sflag:s15] =	ssyncadd.s32 $0xFFFFC000  }
.Ltmp2:
0x57: {  	[bflag:$0x0] =	sbarrier.arrive $0xFFFF;
	(pc) =	sbr.rel @p0 .LBB2_1-.Ltmp2, $4  }
0x58: {  	[hbm:s8], [sflag:s18] =	dma.local [spmem:s19], $0x2800  }
0x59: {  	_ =	swait.ge [sflag:s15], $0x2800  }
0x5a: {  	[sflag:s15] =	ssyncset.done $0x0  }
0x5b: {  	[sflag:s15] =	ssyncadd.s32 $0xFFFFD800  }
0x5c: {  	_ =	sfence.sel $0x180000  }
0x5d: {  	[bflag:$0x0] =	sbarrier.arrive $0xFFFF  }
0x5e: {  	p0 =	sne.s32 s0, $0x0;
	_ =	strace $0x9000004A  }
0x5f: {  	s0 =	sadd.s32 @!p0 $0x100000, s1;
	[bflag:$0x2] =	sbarrier.arrive $0xFFFF  }
0x60: {  	[sflag:s0] =	ssyncadd.tile.s32 @!p0 $0x1;
	_ =	shalt  }
.Lfunc_end2:
_tile_overlayer_lowered:
.L_overlay_start_2:
0x61: {  	(tag) =	ssettag $0x2  }
0x62: {  	s0 =	rddreg [dreg:$0x0];
	s2 =	stileid.u32  }
0x63: {  	s1 =	rddreg [dreg:$0x1];
	p0 =	sne.s32 s2, $0x0  }
0x64: {  	s3 =	rddreg [dreg:$0x2];
	[bflag:$0x3] =	sbarrier.arrive $0xFFFF;
	s2 =	simm.s32 @!p0 $0x1C01  }
0x65: {  	[timem:s3], [sflag:s2] =	dma.local @!p0 [hbm:s0], s1  }
0x66: {  	s0 =	simm.s32 @!p0 $0x1  }
0x67: {  	_ =	swait.ge @!p0 [sflag:s0], s1  }
0x68: {  	s1 =	ssub.s32 @!p0 $0x0, s1;
	[sflag:s0] =	ssyncset.done @!p0 $0x0  }
0x69: {  	[sflag:s0] =	ssyncadd.s32 @!p0 s1  }
0x6a: {  	[bflag:$0x3] =	sbarrier.arrive $0xFFFF  }
0x6b: {  	_ =	shalt  }

// kernel: kernel.14.cloned.1.call-start
scs
__scs_entry_jumppad:
0x0: {  	(pc) =	sbr.rel $0x88, $3  }
0x1: {  	(tag) =	ssettag $0x0;
	lr =	simm.s32 $0x1  }
0x2: {  	[smem:$0x3F99] =	sst lr;
	_ =	strace $0xD0000000  }
0x3: {  	_ = 	snop  }
0x4: {  	_ = 	snop  }
0x5: {  	_ = 	snop  }
0x6: {  	_ = 	snop  }
0x7: {  	_ = 	snop  }
__scs_overlays_trampoline_lowered:
0x8: {  	[smem:$0x3FA8] =	sst s0  }
0x9: {  	[smem:$0x3FA9] =	sst s1  }
0xa: {  	[smem:$0x3FAA] =	sst s2  }
0xb: {  	[smem:$0x3FAB] =	sst s3  }
0xc: {  	[smem:$0x3FAC] =	sst s4  }
0xd: {  	[smem:$0x3FAD] =	sst s5  }
0xe: {  	[smem:$0x3FAE] =	sst s6  }
0xf: {  	[smem:$0x3FAF] =	sst s7  }
0x10: {  	[smem:$0x3FB0] =	sst s8  }
0x11: {  	[smem:$0x3FB1] =	sst s9;
	s0 =	simm.s32 @!p0 $0x0  }
0x12: {  	s1 =	sld [smem:$0x3F97];
	s0 =	simm.s32 @p0 $0x1  }
0x13: {  	[smem:$0x3FB2] =	sst s0;
	s0 =	simm.s32 @!p1 $0x0  }
0x14: {  	s2 =	sld [smem:$0x3F96];
	s0 =	simm.s32 @p1 $0x1  }
0x15: {  	[smem:$0x3FB3] =	sst s0;
	s0 =	simm.s32 @!p2 $0x0  }
0x16: {  	s3 =	sld [smem:$0x3FDB];
	s0 =	simm.s32 @p2 $0x1  }
0x17: {  	s4 =	simm.s32 $0x1BF5;
	[smem:$0x3FB5] =	sst s0  }
0x18: {  	s0 =	sld [smem:$0x3F98];
	_ =	swait.ge [sflag:s4], $0x0  }
0x19: {  	s7 =	sld [smem:$0x3F99]  }
0x1a: {  	s8 =	sadd.s32 $0xFFFFE003, lr  }
0x1b: {  	s9 =	sadd.s32 $0xFFFFFEF7, lr;
	s5 =	simm.s32 $0xFFFFFFFF;
	p2 =	slt.u32 s8, $0xFFFFF086  }
0x1c: {  	p1 =	slt.u32 s9, $0xF7A;
	s5 =	simm.s32 @!p2 $0x0  }
0x1d: {  	s5 =	simm.s32 @p1 $0x1;
	p0 =	seq.s32 s7, s2  }
0x1e: {  	s7 =	smul.u32 @!p0 $0xF7A, s2;
	p2 =	seq.s32 @!p0 s5, $0x0  }
0x1f: {  	s9 =	smul.u32 $0xF7A, s1;
	s8 =	simm.s32 @!p0 $0x1BF5;
	p2 =	por !p2, p0  }
0x20: {  	[sflag:s8] =	ssyncset.s32 @!p0 $0xFFFFF086;
	s6 =	sadd.s32 @!p0 s3, s7;
	s7 =	simm.s32 @!p0 $0x108  }
0x21: {  	s3 =	sadd.s32 s3, s9;
	s6 =	sadd.s32 @!p0 $0x88, s6;
	s7 =	simm.s32 @p2 $0x1082  }
0x22: {  	[simem:s7], [sflag:s8] =	dma.local @!p0 [hbm:s6], $0xF7A  }
0x23: {  	s9 =	sor.u32 $0xD0000000, s2;
	s6 =	simm.s32 $0x108;
	_ =	swait.ge @!p0 [sflag:s8], $0x0  }
0x24: {  	s3 =	sadd.s32 $0x88, s3;
	s6 =	simm.s32 @!p1 $0x1082;
	[sflag:s4] =	ssyncset.s32 $0xFFFFF086  }
0x25: {  	[simem:s6], [sflag:s4] =	dma.local [hbm:s3], $0xF7A  }
0x26: {  	[smem:$0x3F99] =	sst s1;
	(tag) =	ssettag s2;
	_ =	strace s9  }
0x27: {  	s1 =	sld [smem:$0x3FA9]  }
0x28: {  	s2 =	sld [smem:$0x3FAA]  }
0x29: {  	s4 =	sld [smem:$0x3FAC]  }
0x2a: {  	p0 =	seq.s32 s5, $0x0;
	s5 =	sld [smem:$0x3FAD]  }
0x2b: {  	s6 =	sld [smem:$0x3FAE]  }
0x2c: {  	s7 =	sld [smem:$0x3FAF]  }
0x2d: {  	s3 =	simm.s32 $0x108;
	s8 =	sld [smem:$0x3FB0]  }
0x2e: {  	s3 =	simm.s32 @!p0 $0x1082;
	s9 =	sld [smem:$0x3FB1]  }
0x2f: {  	lr =	sadd.s32 s0, s3;
	s0 =	sld [smem:$0x3FA8]  }
0x30: {  	s3 =	sld [smem:$0x3FAB]  }
0x31: {  	[smem:$0x3FB4] =	sst s10  }
0x32: {  	s10 =	sld [smem:$0x3FB2];
	_ =	sdelay $0x3  }
0x33: {  	p0 =	seq.s32 s10, $0x1;
	s10 =	sld [smem:$0x3FB4];
	_ =	sdelay $0x3  }
0x34: {  	[smem:$0x3FB4] =	sst s10  }
0x35: {  	s10 =	sld [smem:$0x3FB3];
	_ =	sdelay $0x3  }
0x36: {  	p1 =	seq.s32 s10, $0x1;
	s10 =	sld [smem:$0x3FB4];
	_ =	sdelay $0x3  }
0x37: {  	[smem:$0x3FB4] =	sst s10  }
0x38: {  	s10 =	sld [smem:$0x3FB5]  }
0x39: {  	_ = 	snop;
	(pc) =	sbr.ind lr, $3  }
0x3a: {  	_ = 	snop  }
0x3b: {  	_ = 	snop  }
0x3c: {  	p2 =	seq.s32 s10, $0x1;
	s10 =	sld [smem:$0x3FB4]  }
0x3d: {  	_ =	shalt  }
0x3e: {  	_ =	shalt  }
0x3f: {  	_ =	shalt  }
0x40: {  	_ =	shalt  }
0x41: {  	_ =	shalt  }
0x42: {  	_ =	shalt  }
0x43: {  	_ =	shalt  }
0x44: {  	_ =	shalt  }
0x45: {  	_ =	shalt  }
0x46: {  	_ =	shalt  }
0x47: {  	_ =	shalt  }
0x48: {  	_ =	shalt  }
0x49: {  	_ =	shalt  }
0x4a: {  	_ =	shalt  }
0x4b: {  	_ =	shalt  }
0x4c: {  	_ =	shalt  }
0x4d: {  	_ =	shalt  }
0x4e: {  	_ =	shalt  }
0x4f: {  	_ =	shalt  }
0x50: {  	_ =	shalt  }
0x51: {  	_ =	shalt  }
0x52: {  	_ =	shalt  }
0x53: {  	_ =	shalt  }
0x54: {  	_ =	shalt  }
0x55: {  	_ =	shalt  }
0x56: {  	_ =	shalt  }
0x57: {  	_ =	shalt  }
0x58: {  	_ =	shalt  }
0x59: {  	_ =	shalt  }
0x5a: {  	_ =	shalt  }
0x5b: {  	_ =	shalt  }
0x5c: {  	_ =	shalt  }
0x5d: {  	_ =	shalt  }
0x5e: {  	_ =	shalt  }
0x5f: {  	_ =	shalt  }
0x60: {  	_ =	shalt  }
0x61: {  	_ =	shalt  }
0x62: {  	_ =	shalt  }
0x63: {  	_ =	shalt  }
0x64: {  	_ =	shalt  }
0x65: {  	_ =	shalt  }
0x66: {  	_ =	shalt  }
0x67: {  	_ =	shalt  }
0x68: {  	_ =	shalt  }
0x69: {  	_ =	shalt  }
0x6a: {  	_ =	shalt  }
0x6b: {  	_ =	shalt  }
0x6c: {  	_ =	shalt  }
0x6d: {  	_ =	shalt  }
0x6e: {  	_ =	shalt  }
0x6f: {  	_ =	shalt  }
0x70: {  	_ =	shalt  }
0x71: {  	_ =	shalt  }
0x72: {  	_ =	shalt  }
0x73: {  	_ =	shalt  }
0x74: {  	_ =	shalt  }
0x75: {  	_ =	shalt  }
0x76: {  	_ =	shalt  }
0x77: {  	_ =	shalt  }
0x78: {  	_ =	shalt  }
0x79: {  	_ =	shalt  }
0x7a: {  	_ =	shalt  }
0x7b: {  	_ =	shalt  }
0x7c: {  	_ =	shalt  }
0x7d: {  	_ =	shalt  }
0x7e: {  	_ =	shalt  }
0x7f: {  	_ =	shalt  }
0x80: {  	_ =	shalt  }
0x81: {  	_ =	shalt  }
0x82: {  	_ =	shalt  }
0x83: {  	_ =	shalt  }
0x84: {  	_ =	shalt  }
0x85: {  	_ =	shalt  }
0x86: {  	_ =	shalt  }
0x87: {  	_ =	shalt  }
.Lfunc_end0:
.L_simem_size_0:
called_computation.2_lowered:
.L_overlay_start_0:
0x88: {  	s2 =	sld [smem:$0x3FD9]  }
0x89: {  	s3 =	sld [smem:$0x3FFE];
	_ =	sdelay $0x1  }
0x8a: {  	s1 =	srdreg.scid  }
0x8b: {  	s0 =	sand.u32 $0x1, s1  }
0x8c: {  	s17 =	sshll.u32 s0, $0xA;
	s2 =	sadd.s32 s3, s2  }
0x8d: {  	s2 =	sadd.s32 s2, s17  }
0x8e: {  	[smem:$0x3FC0] =	sst s2  }
0x8f: {  	_ = 	snop  }
0x90: {  	s2 =	sld [smem:$0x3FD0];
	(tm) =	ssettm $0x1  }
0x91: {  	s18 =	sld [smem:$0x3FFB];
	_ =	sdelay $0x3  }
0x92: {  	_ =	strace s18  }
0x93: {  	s3 =	sld [smem:$0x3FFC];
	_ =	sdelay $0x3  }
0x94: {  	_ =	strace s3  }
0x95: {  	s3 =	sld [smem:$0x3FFD];
	_ =	sdelay $0x3  }
0x96: {  	_ =	strace s3  }
0x97: {  	_ =	strace $0x8FFFFFFF  }
0x98: {  	s19 =	sld [smem:$0x3FDB];
	_ =	sdelay $0x1  }
0x99: {  	s4 =	simm.s32 $_scs_section_size  }
0x9a: {  	s5 =	simm.s32 $_size__tile_overlayer_lowered;
	s6 =	simm.s32 $_tile_overlayer_lowered  }
0x9b: {  	s22 =	simm.s32 $0x1BFF;
	s21 =	sshll.u32 s6, $0x1;
	s3 =	sadd.s32 s4, s19  }
0x9c: {  	s7 =	simm.s32 $0x0;
	s20 =	sshll.u32 s5, $0x1;
	s5 =	sadd.s32 s21, s3  }
0x9d: {  	[timem:s7], [sflag:s22] =	dma.local [hbm:s5], s20  }
0x9e: {  	_ =	swait.ge [sflag:s22], s20  }
0x9f: {  	s4 =	ssub.s32 $0x0, s20;
	[sflag:s22] =	ssyncset.done $0x0  }
0xa0: {  	[sflag:s22] =	ssyncadd.s32 s4;
	_ =	sdelay $0x1  }
0xa1: {  	s23 =	simm.s32 $0x1B8B  }
0xa2: {  	_ =	swait.ge [sflag:s23], $0x1  }
0xa3: {  	[sflag:s23] =	ssyncset.done $0x0  }
0xa4: {  	s25 =	simm.s32 $0x1B8E;
	s24 =	sld [smem:$0x3FFE];
	[sflag:s23] =	ssyncadd.s32 $0xFFFFFFFF  }
0xa5: {  	s26 =	simm.s32 $execute0_lowered;
	[smem:$0x3FD2] =	sst s25  }
0xa6: {  	s5 =	sshll.u32 s26, $0x1;
	_ =	strace $0x8000004C;
	[dreg:$0x1] =	wrdreg $0xFFFFFFFF  }
0xa7: {  	s28 =	simm.s32 $_size_execute0_lowered;
	s3 =	sadd.s32 s3, s5;
	[dreg:$0x0] =	wrdreg $0x0  }
0xa8: {  	s5 =	sshll.u32 s28, $0x1;
	[dreg:$0x2] =	wrdreg s3  }
0xa9: {  	[dreg:$0x3] =	wrdreg s5  }
0xaa: {  	[dreg:$0x4] =	wrdreg $0xC0  }
0xab: {  	_ =	task [dreg:s7], $0x5FFFF  }
0xac: {  	[dreg:$0x1] =	wrdreg $0xFFFFFFFF  }
0xad: {  	[dreg:$0x0] =	wrdreg $0x60  }
0xae: {  	[dreg:$0x2] =	wrdreg s2  }
0xaf: {  	[dreg:$0x3] =	wrdreg s24  }
0xb0: {  	[dreg:$0x4] =	wrdreg $0x90000  }
0xb1: {  	[dreg:$0x5] =	wrdreg $0x9  }
0xb2: {  	_ =	task.clear_ibuf [dreg:s7], $0x6FFFF;
	_ =	strace $0x9000004C  }
0xb3: {  	s29 =	simm.s32 $0x9;
	_ =	strace $0x8000004E  }
0xb4: {  	_ =	swait.ge [sflag:s29], $0x1  }
0xb5: {  	[sflag:s29] =	ssyncadd.s32 $0xFFFFFFFF  }
0xb6: {  	_ =	strace $0x9000004E  }
0xb7: {  	_ =	sfence  }
0xb8: {  	s30 =	sld [smem:$0x0];
	_ =	sdelay $0x2  }
0xb9: {  	s31 =	sshll.u32 s1, $0xD;
	s1 =	sshrl.u32 s1, $0x2  }
0xba: {  	s3 =	sand.u32 $0x4000, s31;
	s1 =	sadd.s32 s1, s30  }
0xbb: {  	s0 =	sor.u32 s3, s0;
	s1 =	sshll.u32 s1, $0x11  }
0xbc: {  	s0 =	sor.u32 s1, s0  }
0xbd: {  	s0 =	sadd.s32 $0x8F2B, s0  }
0xbe: {  	[sflag:s0] =	ssyncadd.remote.s32 $0x1  }
0xbf: {  	_ =	sfence.sel $0xFFFF  }
0xc0: {  	[dreg:$0x0] =	wrdreg $0xFFFFFFFF;
	(pc) =	sbr.abs _section_cstart, $3  }
0xc1: {  	[dreg:$0x1] =	wrdreg $0xFFFFFFFF  }
0xc2: {  	_ =	task.clear_ibuf [dreg:s7], $0x2FFFF;
	_ =	strace $0x9FFFFFFF  }
0xc3: {  	(tm) =	ssettm $0x7FFFFFFF  }
tec
execute0_lowered:
.L_overlay_start_1:
0x0: {  	(tag) =	ssettag $0x1  }
0x1: {  	s6 =	rddreg [dreg:$0x0]  }
0x2: {  	s7 =	rddreg [dreg:$0x1]  }
0x3: {  	s0 =	srdreg.scid;
	s2 =	rddreg [dreg:$0x2];
	s3 =	simm.s32 $0x0  }
0x4: {  	s14 =	simm.s32 $0x5000;
	s15 =	simm.s32 $0x1;
	s5 =	sand.u32 $0x1, s0  }
0x5: {  	s16 =	simm.s32 $0x2800;
	s0 =	stileid.u32;
	s9 =	smul.u32 $0x140000, s5  }
0x6: {  	s17 =	simm.s32 $0x80;
	[smem:$0x7FF] =	sst s3;
	s10 =	smul.u32 $0x14000, s0  }
0x7: {  	s4 =	sadd.s32 $0xCA00, s7;
	s1 =	sshll.u32 s5, $0x4;
	s12 =	smul.u32 $0x50000, s0  }
0x8: {  	s5 =	ssub.s32 $0x2, s5;
	s18 =	sshll.u32 s0, $0x6;
	s1 =	sor.u32 s0, s1  }
0x9: {  	s31 =	sshrl.u32 s5, $0x1;
	s18 =	sor.u32 $0x1C01, s18;
	s8 =	smul.u32 $0x500, s1  }
0xa: {  	s1 =	rddreg [dreg:$0x3];
	_ =	strace $0x8000004D;
	s9 =	sadd.s32 s10, s9  }
0xb: {  	s12 =	sshrl.u32 s12, $0x2;
	s10 =	ssub.s32 s5, s31;
	s9 =	sshrl.u32 s9, $0x3  }
0xc: {  	s5 =	sadd.s32 s12, s2;
	s11 =	sadd.s32 s8, s7;
	s9 =	sadd.s32 s9, s7  }
0xd: {  	s6 =	sadd.s32 s6, s8;
	s12 =	sadd.s32 $0xC000, s5;
	s13 =	sadd.s32 $0x10000, s5  }
0xe: {  	s19 =	sshrl.u32 s5, $0x3;
	s7 =	sadd.s32 $0x2A00, s11;
	s8 =	sadd.s32 $0x34A00, s9  }
0xf: {  	v0 =	vimm.f32 $0.0e+00;
	s9 =	smax.u32 s10, $0x1;
	s10 =	sadd.s32 $0x4000, s5;
	s11 =	sadd.s32 $0x8000, s5  }
.LBB2_1:
0x10: {  	s20 =	simm.s32 $0x0;
	s21 =	simm.s32 $0x200  }
.LBB2_2:
0x11: {  	p0 =	sne.s32 s21, $0xFE00;
	[tilespmem:s20+$0x5070] =	vst v0  }
0x12: {  	[tilespmem:s20+$0x5000] =	vst v0  }
0x13: {  	[tilespmem:s20+$0x5010] =	vst v0  }
.Ltmp0:
0x14: {  	[tilespmem:s20+$0x5020] =	vst v0;
	(pc) =	sbr.rel @p0 .LBB2_2-.Ltmp0, $4  }
0x15: {  	[tilespmem:s20+$0x5030] =	vst v0  }
0x16: {  	[tilespmem:s20+$0x5040] =	vst v0  }
0x17: {  	[tilespmem:s20+$0x5050] =	vst v0  }
0x18: {  	[tilespmem:s20+$0x5060] =	vst v0;
	s20 =	sshra.s32 s21, $0x2;
	s21 =	sadd.s32 $0x200, s21  }
0x19: {  	[tilespmem:s20+$0x5070] =	vst v0  }
0x1a: {  	[tilespmem:s20+$0x5000] =	vst v0  }
0x1b: {  	[tilespmem:s20+$0x5010] =	vst v0  }
0x1c: {  	[tilespmem:s20+$0x5020] =	vst v0  }
0x1d: {  	[tilespmem:s20+$0x5030] =	vst v0  }
0x1e: {  	[tilespmem:s20+$0x5040] =	vst v0  }
0x1f: {  	[tilespmem:s20+$0x5050] =	vst v0  }
0x20: {  	[tilespmem:s20+$0x5060] =	vst v0  }
0x21: {  	[spmem:s5] =	stream.linear.scatter [tilespmem:s14], [sflag:$0x1], $0x4000, $0x38;
	[tilespmem:$0x1D000] =	vst v63  }
0x22: {  	_ =	swait.ge [sflag:s15], $0x4000  }
0x23: {  	[sflag:s15] =	ssyncset.done $0x0  }
0x24: {  	[sflag:s15] =	ssyncadd.s32 $0xFFFFC000  }
0x25: {  	[spmem:s10] =	stream.linear.scatter [tilespmem:s14], [sflag:$0x1], $0x4000, $0x38;
	[tilespmem:$0x1D000] =	vst v63  }
0x26: {  	_ =	swait.ge [sflag:s15], $0x4000  }
0x27: {  	[sflag:s15] =	ssyncset.done $0x0  }
0x28: {  	[sflag:s15] =	ssyncadd.s32 $0xFFFFC000  }
0x29: {  	[spmem:s11] =	stream.linear.scatter [tilespmem:s14], [sflag:$0x1], $0x4000, $0x38;
	[tilespmem:$0x1D000] =	vst v63  }
0x2a: {  	_ =	swait.ge [sflag:s15], $0x4000  }
0x2b: {  	[sflag:s15] =	ssyncset.done $0x0  }
0x2c: {  	[sflag:s15] =	ssyncadd.s32 $0xFFFFC000  }
0x2d: {  	[spmem:s12] =	stream.linear.scatter [tilespmem:s14], [sflag:$0x1], $0x4000, $0x38;
	[tilespmem:$0x1D000] =	vst v63  }
0x2e: {  	_ =	swait.ge [sflag:s15], $0x4000  }
0x2f: {  	[sflag:s15] =	ssyncset.done $0x0  }
0x30: {  	[sflag:s15] =	ssyncadd.s32 $0xFFFFC000  }
0x31: {  	[spmem:s13] =	stream.linear.scatter [tilespmem:s14], [sflag:$0x1], $0x4000, $0x38;
	[tilespmem:$0x1D000] =	vst v63  }
0x32: {  	_ =	swait.ge [sflag:s15], $0x4000  }
0x33: {  	[sflag:s15] =	ssyncset.done $0x0  }
0x34: {  	s29 =	simm.s32 $0x0;
	[sflag:s15] =	ssyncadd.s32 $0xFFFFC000  }
0x35: {  	[tilespmem:s29], [sflag:$0x1] =	stream.linear.gather [hbm4b:s6+s29], $0x2780, $0x38;
	[tilespmem:$0x1D000] =	vst v63  }
0x36: {  	_ =	swait.ge [sflag:s15], $0x2780  }
0x37: {  	[sflag:s15] =	ssyncset.done $0x0  }
0x38: {  	[sflag:s15] =	ssyncadd.s32 $0xFFFFD880  }
0x39: {  	[tilespmem:s16], [sflag:$0x1] =	stream.linear.gather [hbm4b:s7+s29], $0x2780, $0x38;
	[tilespmem:$0x1D000] =	vst v63  }
0x3a: {  	_ =	swait.ge [sflag:s15], $0x2780  }
0x3b: {  	[sflag:s15] =	ssyncset.done $0x0  }
0x3c: {  	[sflag:s15] =	ssyncadd.s32 $0xFFFFD880  }
0x3d: {  	s30 =	simm.s32 $0x0;
	[bflag:$0x0] =	sbarrier.arrive $0xFFFF  }
0x3e: {  	[tilespmem:s14], [sflag:$0x1] =	stream.indirect.gather [hbm4b:s4+s17], $0x80, s30, s17, $0xb8;
	[tilespmem:$0x1D000] =	vst v63  }
0x3f: {  	_ =	swait.ge [sflag:s15], $0x4000  }
0x40: {  	[sflag:s15] =	ssyncset.done $0x0  }
0x41: {  	s31 =	simm.s32 $0x2800;
	[sflag:s15] =	ssyncadd.s32 $0xFFFFC000  }
0x42: {  	[spmem:s2] =	stream.indirect.scatter.add.f32 [tilespmem:s14], [sflag:$0x1], $0x80, s31, s17, $0xb8;
	[tilespmem:$0x1D000] =	vst v63  }
0x43: {  	_ =	swait.ge [sflag:s15], $0x4000  }
0x44: {  	s20 =	simm.s32 $0x200;
	s21 =	simm.s32 $0x400;
	[sflag:s15] =	ssyncset.done $0x0  }
.LBB2_4:
0x45: {  	s22 =	sshra.s32 s20, $0x2  }
0x46: {  	[sflag:s15] =	ssyncadd.s32 $0xFFFFC000;
	s20 =	smov.u32 s21;
	s23 =	sadd.s32 $0x200, s21  }
0x47: {  	[tilespmem:s14], [sflag:$0x1] =	stream.indirect.gather [hbm4b:s4+s17], $0x80, s22, s17, $0xb8;
	[tilespmem:$0x1D000] =	vst v63  }
0x48: {  	p0 =	sne.s32 s21, $0x9C00;
	_ =	swait.ge [sflag:s15], $0x4000  }
.Ltmp1:
0x49: {  	[sflag:s15] =	ssyncset.done $0x0;
	(pc) =	sbr.rel @p0 .LBB2_4-.Ltmp1, $4  }
0x4a: {  	s21 =	sadd.s32 $0x2800, s22;
	[sflag:s15] =	ssyncadd.s32 $0xFFFFC000  }
0x4b: {  	[spmem:s2] =	stream.indirect.scatter.add.f32 [tilespmem:s14], [sflag:$0x1], $0x80, s21, s17, $0xb8;
	[tilespmem:$0x1D000] =	vst v63  }
0x4c: {  	_ =	swait.ge [sflag:s15], $0x4000  }
0x4d: {  	s21 =	smov.u32 s23;
	[sflag:s15] =	ssyncset.done $0x0  }
0x4e: {  	s20 =	sshra.s32 s20, $0x2;
	[sflag:s15] =	ssyncadd.s32 $0xFFFFC000  }
0x4f: {  	[tilespmem:s14], [sflag:$0x1] =	stream.indirect.gather [hbm4b:s4+s17], $0x80, s20, s17, $0xb8;
	[tilespmem:$0x1D000] =	vst v63  }
0x50: {  	_ =	swait.ge [sflag:s15], $0x4000  }
0x51: {  	[sflag:s15] =	ssyncset.done $0x0  }
0x52: {  	s20 =	sadd.s32 $0x2800, s20;
	[sflag:s15] =	ssyncadd.s32 $0xFFFFC000  }
0x53: {  	[spmem:s2] =	stream.indirect.scatter.add.f32 [tilespmem:s14], [sflag:$0x1], $0x80, s20, s17, $0xb8;
	[tilespmem:$0x1D000] =	vst v63  }
0x54: {  	_ =	swait.ge [sflag:s15], $0x4000  }
0x55: {  	s3 =	sadd.s32 $0x1, s3;
	[sflag:s15] =	ssyncset.done $0x0  }
0x56: {  	p0 =	sne.s32 s3, s9;
	[sflag:s15] =	ssyncadd.s32 $0xFFFFC000  }
.Ltmp2:
0x57: {  	[bflag:$0x0] =	sbarrier.arrive $0xFFFF;
	(pc) =	sbr.rel @p0 .LBB2_1-.Ltmp2, $4  }
0x58: {  	[hbm:s8], [sflag:s18] =	dma.local [spmem:s19], $0x2800  }
0x59: {  	_ =	swait.ge [sflag:s15], $0x2800  }
0x5a: {  	[sflag:s15] =	ssyncset.done $0x0  }
0x5b: {  	[sflag:s15] =	ssyncadd.s32 $0xFFFFD800  }
0x5c: {  	_ =	sfence.sel $0x180000  }
0x5d: {  	[bflag:$0x0] =	sbarrier.arrive $0xFFFF  }
0x5e: {  	p0 =	sne.s32 s0, $0x0;
	_ =	strace $0x9000004D  }
0x5f: {  	s0 =	sadd.s32 @!p0 $0x100000, s1;
	[bflag:$0x2] =	sbarrier.arrive $0xFFFF  }
0x60: {  	[sflag:s0] =	ssyncadd.tile.s32 @!p0 $0x1;
	_ =	shalt  }
.Lfunc_end2:
_tile_overlayer_lowered:
.L_overlay_start_2:
0x61: {  	(tag) =	ssettag $0x2  }
0x62: {  	s0 =	rddreg [dreg:$0x0];
	s2 =	stileid.u32  }
0x63: {  	s1 =	rddreg [dreg:$0x1];
	p0 =	sne.s32 s2, $0x0  }
0x64: {  	s3 =	rddreg [dreg:$0x2];
	[bflag:$0x3] =	sbarrier.arrive $0xFFFF;
	s2 =	simm.s32 @!p0 $0x1C01  }
0x65: {  	[timem:s3], [sflag:s2] =	dma.local @!p0 [hbm:s0], s1  }
0x66: {  	s0 =	simm.s32 @!p0 $0x1  }
0x67: {  	_ =	swait.ge @!p0 [sflag:s0], s1  }
0x68: {  	s1 =	ssub.s32 @!p0 $0x0, s1;
	[sflag:s0] =	ssyncset.done @!p0 $0x0  }
0x69: {  	[sflag:s0] =	ssyncadd.s32 @!p0 s1  }
0x6a: {  	[bflag:$0x3] =	sbarrier.arrive $0xFFFF  }
0x6b: {  	_ =	shalt  }

// kernel: kernel.8.cloned.1.call-start
scs
__scs_entry_jumppad:
0x0: {  	(pc) =	sbr.rel $0x88, $3  }
0x1: {  	(tag) =	ssettag $0x0;
	lr =	simm.s32 $0x1  }
0x2: {  	[smem:$0x3F99] =	sst lr;
	_ =	strace $0xD0000000  }
0x3: {  	_ = 	snop  }
0x4: {  	_ = 	snop  }
0x5: {  	_ = 	snop  }
0x6: {  	_ = 	snop  }
0x7: {  	_ = 	snop  }
__scs_overlays_trampoline_lowered:
0x8: {  	[smem:$0x3FA8] =	sst s0  }
0x9: {  	[smem:$0x3FA9] =	sst s1  }
0xa: {  	[smem:$0x3FAA] =	sst s2  }
0xb: {  	[smem:$0x3FAB] =	sst s3  }
0xc: {  	[smem:$0x3FAC] =	sst s4  }
0xd: {  	[smem:$0x3FAD] =	sst s5  }
0xe: {  	[smem:$0x3FAE] =	sst s6  }
0xf: {  	[smem:$0x3FAF] =	sst s7  }
0x10: {  	[smem:$0x3FB0] =	sst s8  }
0x11: {  	[smem:$0x3FB1] =	sst s9;
	s0 =	simm.s32 @!p0 $0x0  }
0x12: {  	s1 =	sld [smem:$0x3F97];
	s0 =	simm.s32 @p0 $0x1  }
0x13: {  	[smem:$0x3FB2] =	sst s0;
	s0 =	simm.s32 @!p1 $0x0  }
0x14: {  	s2 =	sld [smem:$0x3F96];
	s0 =	simm.s32 @p1 $0x1  }
0x15: {  	[smem:$0x3FB3] =	sst s0;
	s0 =	simm.s32 @!p2 $0x0  }
0x16: {  	s3 =	sld [smem:$0x3FDB];
	s0 =	simm.s32 @p2 $0x1  }
0x17: {  	s4 =	simm.s32 $0x1BF5;
	[smem:$0x3FB5] =	sst s0  }
0x18: {  	s0 =	sld [smem:$0x3F98];
	_ =	swait.ge [sflag:s4], $0x0  }
0x19: {  	s7 =	sld [smem:$0x3F99]  }
0x1a: {  	s8 =	sadd.s32 $0xFFFFE003, lr  }
0x1b: {  	s9 =	sadd.s32 $0xFFFFFEF7, lr;
	s5 =	simm.s32 $0xFFFFFFFF;
	p2 =	slt.u32 s8, $0xFFFFF086  }
0x1c: {  	p1 =	slt.u32 s9, $0xF7A;
	s5 =	simm.s32 @!p2 $0x0  }
0x1d: {  	s5 =	simm.s32 @p1 $0x1;
	p0 =	seq.s32 s7, s2  }
0x1e: {  	s7 =	smul.u32 @!p0 $0xF7A, s2;
	p2 =	seq.s32 @!p0 s5, $0x0  }
0x1f: {  	s9 =	smul.u32 $0xF7A, s1;
	s8 =	simm.s32 @!p0 $0x1BF5;
	p2 =	por !p2, p0  }
0x20: {  	[sflag:s8] =	ssyncset.s32 @!p0 $0xFFFFF086;
	s6 =	sadd.s32 @!p0 s3, s7;
	s7 =	simm.s32 @!p0 $0x108  }
0x21: {  	s3 =	sadd.s32 s3, s9;
	s6 =	sadd.s32 @!p0 $0x88, s6;
	s7 =	simm.s32 @p2 $0x1082  }
0x22: {  	[simem:s7], [sflag:s8] =	dma.local @!p0 [hbm:s6], $0xF7A  }
0x23: {  	s9 =	sor.u32 $0xD0000000, s2;
	s6 =	simm.s32 $0x108;
	_ =	swait.ge @!p0 [sflag:s8], $0x0  }
0x24: {  	s3 =	sadd.s32 $0x88, s3;
	s6 =	simm.s32 @!p1 $0x1082;
	[sflag:s4] =	ssyncset.s32 $0xFFFFF086  }
0x25: {  	[simem:s6], [sflag:s4] =	dma.local [hbm:s3], $0xF7A  }
0x26: {  	[smem:$0x3F99] =	sst s1;
	(tag) =	ssettag s2;
	_ =	strace s9  }
0x27: {  	s1 =	sld [smem:$0x3FA9]  }
0x28: {  	s2 =	sld [smem:$0x3FAA]  }
0x29: {  	s4 =	sld [smem:$0x3FAC]  }
0x2a: {  	p0 =	seq.s32 s5, $0x0;
	s5 =	sld [smem:$0x3FAD]  }
0x2b: {  	s6 =	sld [smem:$0x3FAE]  }
0x2c: {  	s7 =	sld [smem:$0x3FAF]  }
0x2d: {  	s3 =	simm.s32 $0x108;
	s8 =	sld [smem:$0x3FB0]  }
0x2e: {  	s3 =	simm.s32 @!p0 $0x1082;
	s9 =	sld [smem:$0x3FB1]  }
0x2f: {  	lr =	sadd.s32 s0, s3;
	s0 =	sld [smem:$0x3FA8]  }
0x30: {  	s3 =	sld [smem:$0x3FAB]  }
0x31: {  	[smem:$0x3FB4] =	sst s10  }
0x32: {  	s10 =	sld [smem:$0x3FB2];
	_ =	sdelay $0x3  }
0x33: {  	p0 =	seq.s32 s10, $0x1;
	s10 =	sld [smem:$0x3FB4];
	_ =	sdelay $0x3  }
0x34: {  	[smem:$0x3FB4] =	sst s10  }
0x35: {  	s10 =	sld [smem:$0x3FB3];
	_ =	sdelay $0x3  }
0x36: {  	p1 =	seq.s32 s10, $0x1;
	s10 =	sld [smem:$0x3FB4];
	_ =	sdelay $0x3  }
0x37: {  	[smem:$0x3FB4] =	sst s10  }
0x38: {  	s10 =	sld [smem:$0x3FB5]  }
0x39: {  	_ = 	snop;
	(pc) =	sbr.ind lr, $3  }
0x3a: {  	_ = 	snop  }
0x3b: {  	_ = 	snop  }
0x3c: {  	p2 =	seq.s32 s10, $0x1;
	s10 =	sld [smem:$0x3FB4]  }
0x3d: {  	_ =	shalt  }
0x3e: {  	_ =	shalt  }
0x3f: {  	_ =	shalt  }
0x40: {  	_ =	shalt  }
0x41: {  	_ =	shalt  }
0x42: {  	_ =	shalt  }
0x43: {  	_ =	shalt  }
0x44: {  	_ =	shalt  }
0x45: {  	_ =	shalt  }
0x46: {  	_ =	shalt  }
0x47: {  	_ =	shalt  }
0x48: {  	_ =	shalt  }
0x49: {  	_ =	shalt  }
0x4a: {  	_ =	shalt  }
0x4b: {  	_ =	shalt  }
0x4c: {  	_ =	shalt  }
0x4d: {  	_ =	shalt  }
0x4e: {  	_ =	shalt  }
0x4f: {  	_ =	shalt  }
0x50: {  	_ =	shalt  }
0x51: {  	_ =	shalt  }
0x52: {  	_ =	shalt  }
0x53: {  	_ =	shalt  }
0x54: {  	_ =	shalt  }
0x55: {  	_ =	shalt  }
0x56: {  	_ =	shalt  }
0x57: {  	_ =	shalt  }
0x58: {  	_ =	shalt  }
0x59: {  	_ =	shalt  }
0x5a: {  	_ =	shalt  }
0x5b: {  	_ =	shalt  }
0x5c: {  	_ =	shalt  }
0x5d: {  	_ =	shalt  }
0x5e: {  	_ =	shalt  }
0x5f: {  	_ =	shalt  }
0x60: {  	_ =	shalt  }
0x61: {  	_ =	shalt  }
0x62: {  	_ =	shalt  }
0x63: {  	_ =	shalt  }
0x64: {  	_ =	shalt  }
0x65: {  	_ =	shalt  }
0x66: {  	_ =	shalt  }
0x67: {  	_ =	shalt  }
0x68: {  	_ =	shalt  }
0x69: {  	_ =	shalt  }
0x6a: {  	_ =	shalt  }
0x6b: {  	_ =	shalt  }
0x6c: {  	_ =	shalt  }
0x6d: {  	_ =	shalt  }
0x6e: {  	_ =	shalt  }
0x6f: {  	_ =	shalt  }
0x70: {  	_ =	shalt  }
0x71: {  	_ =	shalt  }
0x72: {  	_ =	shalt  }
0x73: {  	_ =	shalt  }
0x74: {  	_ =	shalt  }
0x75: {  	_ =	shalt  }
0x76: {  	_ =	shalt  }
0x77: {  	_ =	shalt  }
0x78: {  	_ =	shalt  }
0x79: {  	_ =	shalt  }
0x7a: {  	_ =	shalt  }
0x7b: {  	_ =	shalt  }
0x7c: {  	_ =	shalt  }
0x7d: {  	_ =	shalt  }
0x7e: {  	_ =	shalt  }
0x7f: {  	_ =	shalt  }
0x80: {  	_ =	shalt  }
0x81: {  	_ =	shalt  }
0x82: {  	_ =	shalt  }
0x83: {  	_ =	shalt  }
0x84: {  	_ =	shalt  }
0x85: {  	_ =	shalt  }
0x86: {  	_ =	shalt  }
0x87: {  	_ =	shalt  }
.Lfunc_end0:
.L_simem_size_0:
called_computation_lowered:
.L_overlay_start_0:
0x88: {  	s2 =	sld [smem:$0x3FD9]  }
0x89: {  	s3 =	sld [smem:$0x3FFE];
	_ =	sdelay $0x1  }
0x8a: {  	s1 =	srdreg.scid  }
0x8b: {  	s0 =	sand.u32 $0x1, s1  }
0x8c: {  	s16 =	sshll.u32 s0, $0xA;
	s2 =	sadd.s32 s3, s2  }
0x8d: {  	s2 =	sadd.s32 s2, s16  }
0x8e: {  	[smem:$0x3FC0] =	sst s2  }
0x8f: {  	_ = 	snop  }
0x90: {  	(tm) =	ssettm $0x1  }
0x91: {  	s17 =	sld [smem:$0x3FFB];
	_ =	sdelay $0x3  }
0x92: {  	_ =	strace s17  }
0x93: {  	s2 =	sld [smem:$0x3FFC];
	_ =	sdelay $0x3  }
0x94: {  	_ =	strace s2  }
0x95: {  	s2 =	sld [smem:$0x3FFD];
	_ =	sdelay $0x3  }
0x96: {  	_ =	strace s2  }
0x97: {  	_ =	strace $0x8FFFFFFF  }
0x98: {  	s18 =	sld [smem:$0x3FDB];
	_ =	sdelay $0x1  }
0x99: {  	s19 =	simm.s32 $_scs_section_size  }
0x9a: {  	s4 =	simm.s32 $_size__tile_overlayer_lowered;
	s5 =	simm.s32 $_tile_overlayer_lowered  }
0x9b: {  	s22 =	simm.s32 $0x1BFF;
	s21 =	sshll.u32 s5, $0x1;
	s2 =	sadd.s32 s19, s18  }
0x9c: {  	s6 =	simm.s32 $0x0;
	s20 =	sshll.u32 s4, $0x1;
	s4 =	sadd.s32 s21, s2  }
0x9d: {  	[timem:s6], [sflag:s22] =	dma.local [hbm:s4], s20  }
0x9e: {  	_ =	swait.ge [sflag:s22], s20  }
0x9f: {  	s3 =	ssub.s32 $0x0, s20;
	[sflag:s22] =	ssyncset.done $0x0  }
0xa0: {  	[sflag:s22] =	ssyncadd.s32 s3;
	_ =	sdelay $0x1  }
0xa1: {  	s23 =	simm.s32 $0x1B8B  }
0xa2: {  	_ =	swait.ge [sflag:s23], $0x1  }
0xa3: {  	[sflag:s23] =	ssyncset.done $0x0  }
0xa4: {  	s25 =	simm.s32 $0x1B8E;
	s24 =	sld [smem:$0x3FFE];
	[sflag:s23] =	ssyncadd.s32 $0xFFFFFFFF  }
0xa5: {  	s26 =	simm.s32 $execute0_lowered;
	[smem:$0x3FD2] =	sst s25  }
0xa6: {  	s4 =	sshll.u32 s26, $0x1;
	_ =	strace $0x80000046;
	[dreg:$0x1] =	wrdreg $0xFFFFFFFF  }
0xa7: {  	s28 =	simm.s32 $_size_execute0_lowered;
	s2 =	sadd.s32 s2, s4;
	[dreg:$0x0] =	wrdreg $0x0  }
0xa8: {  	s4 =	sshll.u32 s28, $0x1;
	[dreg:$0x2] =	wrdreg s2  }
0xa9: {  	[dreg:$0x3] =	wrdreg s4  }
0xaa: {  	[dreg:$0x4] =	wrdreg $0xC0  }
0xab: {  	_ =	task [dreg:s6], $0x5FFFF  }
0xac: {  	[dreg:$0x1] =	wrdreg $0xFFFFFFFF  }
0xad: {  	[dreg:$0x0] =	wrdreg $0x60  }
0xae: {  	[dreg:$0x2] =	wrdreg s24  }
0xaf: {  	[dreg:$0x3] =	wrdreg $0x2B000  }
0xb0: {  	[dreg:$0x4] =	wrdreg $0x9  }
0xb1: {  	_ =	task.clear_ibuf [dreg:s6], $0x5FFFF;
	_ =	strace $0x90000046  }
0xb2: {  	s29 =	simm.s32 $0x9;
	_ =	strace $0x80000048  }
0xb3: {  	_ =	swait.ge [sflag:s29], $0x1  }
0xb4: {  	[sflag:s29] =	ssyncadd.s32 $0xFFFFFFFF  }
0xb5: {  	_ =	strace $0x90000048  }
0xb6: {  	_ =	sfence  }
0xb7: {  	s30 =	sld [smem:$0x0];
	_ =	sdelay $0x2  }
0xb8: {  	s31 =	sshll.u32 s1, $0xD;
	s1 =	sshrl.u32 s1, $0x2  }
0xb9: {  	s3 =	sand.u32 $0x4000, s31;
	s1 =	sadd.s32 s1, s30  }
0xba: {  	s0 =	sor.u32 s3, s0;
	s1 =	sshll.u32 s1, $0x11  }
0xbb: {  	s0 =	sor.u32 s1, s0  }
0xbc: {  	s0 =	sadd.s32 $0x8F2B, s0  }
0xbd: {  	[sflag:s0] =	ssyncadd.remote.s32 $0x1  }
0xbe: {  	_ =	sfence.sel $0xFFFF  }
0xbf: {  	[dreg:$0x0] =	wrdreg $0xFFFFFFFF;
	(pc) =	sbr.abs _section_cstart, $3  }
0xc0: {  	[dreg:$0x1] =	wrdreg $0xFFFFFFFF  }
0xc1: {  	_ =	task.clear_ibuf [dreg:s6], $0x2FFFF;
	_ =	strace $0x9FFFFFFF  }
0xc2: {  	(tm) =	ssettm $0x7FFFFFFF  }
0xc3: {  	_ =	shalt  }
tec
execute0_lowered:
.L_overlay_start_1:
0x0: {  	(tag) =	ssettag $0x1  }
0x1: {  	s5 =	rddreg [dreg:$0x0]  }
0x2: {  	s0 =	srdreg.scid;
	s2 =	rddreg [dreg:$0x1]  }
0x3: {  	s3 =	simm.s32 $0x0;
	s10 =	simm.s32 $0x80;
	s11 =	simm.s32 $0x2800  }
0x4: {  	s12 =	simm.s32 $0x100;
	s4 =	sand.u32 $0x1, s0;
	s0 =	stileid.u32  }
0x5: {  	s13 =	simm.s32 $0x0;
	[smem:$0x7FF] =	sst s3;
	s7 =	smul.u32 $0x500, s0  }
0x6: {  	s1 =	sshll.u32 s4, $0x4;
	s8 =	sshll.u32 s4, $0x7;
	s9 =	smul.u32 $0xA00, s0  }
0x7: {  	s4 =	ssub.s32 $0x2, s4;
	s6 =	sor.u32 s0, s1;
	s1 =	rddreg [dreg:$0x2]  }
0x8: {  	_ =	strace $0x80000047;
	s31 =	sshrl.u32 s4, $0x1;
	s6 =	smul.u32 $0x500, s6  }
0x9: {  	s7 =	sor.u32 s8, s7;
	s9 =	sshrl.u32 s9, $0x2;
	s8 =	ssub.s32 s4, s31  }
0xa: {  	s7 =	sshrl.u32 s7, $0x3;
	s4 =	sadd.s32 s9, s2;
	s6 =	sadd.s32 s6, s5  }
0xb: {  	s9 =	simm.s32 $0x1;
	s7 =	sadd.s32 s7, s5;
	s5 =	sadd.s32 $0x2A00, s6  }
0xc: {  	v0 =	vimm.f32 $1.000000000e+00;
	v1 =	vimm.f32 $0.0e+00;
	s6 =	sadd.s32 $0xCA00, s7;
	s7 =	smax.u32 s8, $0x1;
	s8 =	simm.s32 $0x2880  }
.LBB2_1:
0xd: {  	[tilespmem:$0x2800] =	vst v0  }
0xe: {  	[tilespmem:$0x2810] =	vst v0  }
0xf: {  	[tilespmem:$0x2820] =	vst v0  }
0x10: {  	[tilespmem:$0x2830] =	vst v0  }
0x11: {  	[tilespmem:$0x2840] =	vst v0  }
0x12: {  	[tilespmem:$0x2850] =	vst v0  }
0x13: {  	[tilespmem:$0x2860] =	vst v0  }
0x14: {  	[tilespmem:$0x2870] =	vst v0  }
0x15: {  	[tilespmem:$0x2880] =	vst v1  }
0x16: {  	[tilespmem:$0x2890] =	vst v1  }
0x17: {  	[tilespmem:$0x28A0] =	vst v1  }
0x18: {  	[tilespmem:$0x28B0] =	vst v1  }
0x19: {  	[tilespmem:$0x28C0] =	vst v1  }
0x1a: {  	[tilespmem:$0x28D0] =	vst v1  }
0x1b: {  	[tilespmem:$0x28E0] =	vst v1  }
0x1c: {  	[tilespmem:$0x28F0] =	vst v1  }
0x1d: {  	[tilespmem:$0x2900] =	vst v1  }
0x1e: {  	[tilespmem:$0x2910] =	vst v1  }
0x1f: {  	[tilespmem:$0x2920] =	vst v1  }
0x20: {  	[tilespmem:$0x2930] =	vst v1  }
0x21: {  	[tilespmem:$0x2940] =	vst v1  }
0x22: {  	[tilespmem:$0x2950] =	vst v1  }
0x23: {  	[tilespmem:$0x2960] =	vst v1  }
0x24: {  	[tilespmem:$0x2970] =	vst v1  }
0x25: {  	[tilespmem:$0x2980] =	vst v1  }
0x26: {  	[tilespmem:$0x2990] =	vst v1  }
0x27: {  	[tilespmem:$0x29A0] =	vst v1  }
0x28: {  	[tilespmem:$0x29B0] =	vst v1  }
0x29: {  	[tilespmem:$0x29C0] =	vst v1  }
0x2a: {  	[tilespmem:$0x29D0] =	vst v1  }
0x2b: {  	[tilespmem:$0x29E0] =	vst v1  }
0x2c: {  	[tilespmem:$0x29F0] =	vst v1  }
0x2d: {  	[tilespmem:$0x2A00] =	vst v1  }
0x2e: {  	[tilespmem:$0x2A10] =	vst v1  }
0x2f: {  	[tilespmem:$0x2A20] =	vst v1  }
0x30: {  	[tilespmem:$0x2A30] =	vst v1  }
0x31: {  	[tilespmem:$0x2A40] =	vst v1  }
0x32: {  	[tilespmem:$0x2A50] =	vst v1  }
0x33: {  	[tilespmem:$0x2A60] =	vst v1  }
0x34: {  	[tilespmem:$0x2A70] =	vst v1  }
0x35: {  	[tilespmem:$0x2A80] =	vst v1  }
0x36: {  	[tilespmem:$0x2A90] =	vst v1  }
0x37: {  	[tilespmem:$0x2AA0] =	vst v1  }
0x38: {  	[tilespmem:$0x2AB0] =	vst v1  }
0x39: {  	[tilespmem:$0x2AC0] =	vst v1  }
0x3a: {  	[tilespmem:$0x2AD0] =	vst v1  }
0x3b: {  	[tilespmem:$0x2AE0] =	vst v1  }
0x3c: {  	[tilespmem:$0x2AF0] =	vst v1  }
0x3d: {  	[spmem:s4] =	stream.linear.scatter [tilespmem:s8], [sflag:$0x1], $0x280, $0x38;
	[tilespmem:$0x2D80] =	vst v63  }
0x3e: {  	_ =	swait.ge [sflag:s9], $0x280  }
0x3f: {  	[sflag:s9] =	ssyncset.done $0x0  }
0x40: {  	[sflag:s9] =	ssyncadd.s32 $0xFFFFFD80  }
0x41: {  	[tilespmem:s3], [sflag:$0x1] =	stream.linear.gather [hbm4b:s5+s3], $0x2780, $0x38;
	[tilespmem:$0x2D80] =	vst v63  }
0x42: {  	_ =	swait.ge [sflag:s9], $0x2780  }
0x43: {  	[sflag:s9] =	ssyncset.done $0x0  }
0x44: {  	[sflag:s9] =	ssyncadd.s32 $0xFFFFD880  }
0x45: {  	s14 =	simm.s32 $0x0;
	[bflag:$0x0] =	sbarrier.arrive $0xFFFF  }
0x46: {  	[spmem:s2] =	stream.indirect.scatter.add.f32 [tilespmem:s11], [sflag:$0x1], $0x1, s14, s10, $0xb8;
	[tilespmem:$0x2D80] =	vst v63  }
0x47: {  	_ =	swait.ge [sflag:s9], $0x80  }
0x48: {  	s14 =	simm.s32 $0x200;
	[sflag:s9] =	ssyncset.done $0x0  }
.LBB2_2:
0x49: {  	s15 =	sshra.s32 s14, $0x2;
	[sflag:s9] =	ssyncadd.s32 $0xFFFFFF80;
	p0 =	sne.s32 s14, $0x9C00  }
0x4a: {  	[spmem:s2] =	stream.indirect.scatter.add.f32 [tilespmem:s11], [sflag:$0x1], $0x1, s15, s10, $0xb8;
	[tilespmem:$0x2D80] =	vst v63  }
.Ltmp0:
0x4b: {  	_ = 	snop;
	(pc) =	sbr.rel @p0 .LBB2_2-.Ltmp0, $4  }
0x4c: {  	_ = 	snop  }
0x4d: {  	s14 =	sadd.s32 $0x200, s14  }
0x4e: {  	_ =	swait.ge [sflag:s9], $0x80  }
0x4f: {  	[sflag:s9] =	ssyncset.done $0x0  }
0x50: {  	[sflag:s9] =	ssyncadd.s32 $0xFFFFFF80  }
0x51: {  	[bflag:$0x0] =	sbarrier.arrive $0xFFFF  }
0x52: {  	[tilespmem:s8], [sflag:$0x1] =	stream.linear.gather [spmem:s4], $0x280, $0x38;
	[tilespmem:$0x2D80] =	vst v63  }
0x53: {  	s13 =	sadd.s32 $0x1, s13;
	_ =	swait.ge [sflag:s9], $0x280  }
0x54: {  	p0 =	sne.s32 s13, s7;
	[sflag:s9] =	ssyncset.done $0x0  }
.Ltmp1:
0x55: {  	[sflag:s9] =	ssyncadd.s32 $0xFFFFFD80;
	(pc) =	sbr.rel @p0 .LBB2_1-.Ltmp1, $4  }
0x56: {  	[hbm4b:s6+s10] =	stream.strided.scatter [tilespmem:s8], [sflag:$0x1], $0x280, s12, s10, $0x38;
	[tilespmem:$0x2D80] =	vst v63  }
0x57: {  	_ =	swait.ge [sflag:s9], $0x280  }
0x58: {  	[sflag:s9] =	ssyncset.done $0x0  }
0x59: {  	[sflag:s9] =	ssyncadd.s32 $0xFFFFFD80  }
0x5a: {  	_ =	sfence.sel $0x180000  }
0x5b: {  	[bflag:$0x0] =	sbarrier.arrive $0xFFFF  }
0x5c: {  	p0 =	sne.s32 s0, $0x0;
	_ =	strace $0x90000047  }
0x5d: {  	s0 =	sadd.s32 @!p0 $0x100000, s1;
	[bflag:$0x2] =	sbarrier.arrive $0xFFFF  }
0x5e: {  	[sflag:s0] =	ssyncadd.tile.s32 @!p0 $0x1;
	_ =	shalt  }
.Lfunc_end2:
_tile_overlayer_lowered:
.L_overlay_start_2:
0x5f: {  	(tag) =	ssettag $0x2  }
0x60: {  	s0 =	rddreg [dreg:$0x0];
	s2 =	stileid.u32  }
0x61: {  	s1 =	rddreg [dreg:$0x1];
	p0 =	sne.s32 s2, $0x0  }
0x62: {  	s3 =	rddreg [dreg:$0x2];
	[bflag:$0x3] =	sbarrier.arrive $0xFFFF;
	s2 =	simm.s32 @!p0 $0x1C01  }
0x63: {  	[timem:s3], [sflag:s2] =	dma.local @!p0 [hbm:s0], s1  }
0x64: {  	s0 =	simm.s32 @!p0 $0x1  }
0x65: {  	_ =	swait.ge @!p0 [sflag:s0], s1  }
0x66: {  	s1 =	ssub.s32 @!p0 $0x0, s1;
	[sflag:s0] =	ssyncset.done @!p0 $0x0  }
0x67: {  	[sflag:s0] =	ssyncadd.s32 @!p0 s1  }
0x68: {  	[bflag:$0x3] =	sbarrier.arrive $0xFFFF  }
0x69: {  	_ =	shalt  }

</sc_bundles>
